<compile_context>
chip_gen: v7x
topology: tpu7x:2x2x1
jax: 0.10.2.dev20260603
libtpu: 0.0.44.dev20260713+nightly
codegen_flags: <defaults>
</compile_context>

<pallas_src>
import functools

import jax
import jax.numpy as jnp
from jax import lax
from jax.experimental import pallas as pl
from jax.experimental.pallas import tpu as pltpu
from jax.experimental.pallas import tpu_sc as plsc

_LANES = 16


def _sc_body(b, h, w, d, tab_hbm, out_hbm, tsp, buf, sems):
    c = lax.axis_index("c")
    s = lax.axis_index("s")
    wid = c * 16 + s
    ofs = s * _LANES
    pltpu.sync_copy(tab_hbm, tsp)
    hw = h * w
    chunks = hw // _LANES

    def build_row_x(j, carry):
        base = (ofs + j) * w
        va = tsp[pl.ds(base, _LANES)]
        vb = tsp[pl.ds(base + _LANES, _LANES)]
        for k in range(chunks):
            src = va if (k % (w // _LANES)) == 0 else vb
            buf[pl.ds(j * hw + k * _LANES, _LANES)] = src
        return carry

    def build_row_y(j, carry):
        base = d * w + (ofs + j) * h
        va = tsp[pl.ds(base, _LANES)]
        vb = tsp[pl.ds(base + _LANES, _LANES)]
        for k in range(chunks):
            hh = k // (w // _LANES)
            src = va if hh < _LANES else vb
            idx = jnp.zeros((_LANES,), jnp.int32) + (hh % _LANES)
            val = lax.gather(
                src, idx[:, None],
                lax.GatherDimensionNumbers(
                    offset_dims=(), collapsed_slice_dims=(0,),
                    start_index_map=(0,)),
                slice_sizes=(1,),
                mode=lax.GatherScatterMode.PROMISE_IN_BOUNDS)
            buf[pl.ds(j * hw + k * _LANES, _LANES)] = val
        return carry

    @pl.when(c == 0)
    def _x():
        lax.fori_loop(0, _LANES, build_row_x, 0)

    @pl.when(c == 1)
    def _y():
        lax.fori_loop(0, _LANES, build_row_y, 0)

    blk = _LANES * hw
    start0 = wid * blk
    handles = [
        pltpu.async_copy(
            buf, out_hbm.at[pl.ds(i * (2 * d * hw) + start0, blk)], sems)
        for i in range(b)
    ]
    for hnd in handles:
        hnd.wait()


def kernel(pixel_values, row_embedding, column_embedding):
    b = pixel_values.shape[0]
    h, w = pixel_values.shape[-2], pixel_values.shape[-1]
    d = row_embedding.shape[-1]
    tab = jnp.stack([column_embedding[:w].T, row_embedding[:h].T]).reshape(-1)
    mesh = plsc.VectorSubcoreMesh(core_axis_name="c", subcore_axis_name="s")
    body = functools.partial(_sc_body, b, h, w, d)
    fn = pl.kernel(
        body,
        mesh=mesh,
        out_type=jax.ShapeDtypeStruct((b * 2 * d * h * w,), jnp.float32),
        scratch_types=[
            pltpu.VMEM((2 * h * d,), jnp.float32),
            pltpu.VMEM((_LANES * h * w,), jnp.float32),
            pltpu.SemaphoreType.DMA,
        ],
    )
    out = fn(tab)
    return out.reshape(b, 2 * d, h, w)

# --- scband reference (transcript-rebuilt; emitter-appended) ---
"""Pipeline reference for scband-detr-learned-position-embedding-64665027608811 (READ-ONLY COPY).

The authoritative reference and input builder live on the scoring server;
editing this copy changes nothing except your own understanding.
"""

import jax, jax.numpy as jnp
import numpy as np


def setup_inputs(seed: int = 0) -> dict:
    key = jax.random.key(seed)
    k1, k2, k3 = jax.random.split(key, 3)
    return {
        "pixel_values": jax.random.normal(k1, (8, 256, 32, 32), dtype=jnp.float32),
        "row_embedding": jax.random.normal(k2, (50, 256), dtype=jnp.float32),
        "column_embedding": jax.random.normal(k3, (50, 256), dtype=jnp.float32),
    }


def reference(pixel_values, row_embedding, column_embedding):
    B = pixel_values.shape[0]
    H, W = pixel_values.shape[-2], pixel_values.shape[-1]
    width_values = jnp.arange(W)
    height_values = jnp.arange(H)
    # embedding lookups (gather)
    x_emb = jnp.take(column_embedding, width_values, axis=0)   # (W, d)
    y_emb = jnp.take(row_embedding, height_values, axis=0)     # (H, d)
    # repeat/broadcast as in torch: x_emb.unsqueeze(0).repeat(H,1,1), y_emb.unsqueeze(1).repeat(1,W,1)
    x_rep = jnp.broadcast_to(x_emb[None, :, :], (H, W, x_emb.shape[-1]))
    y_rep = jnp.broadcast_to(y_emb[:, None, :], (H, W, y_emb.shape[-1]))
    pos = jnp.concatenate([x_rep, y_rep], axis=-1)             # (H, W, 2d)
    pos = jnp.transpose(pos, (2, 0, 1))[None]                  # (1, 2d, H, W)
    pos = jnp.broadcast_to(pos, (B,) + pos.shape[1:])          # (B, 2d, H, W)
    return pos

if __name__ == "__main__":
    import jax
    _d = setup_inputs()
    print(jax.jit(kernel)(*tuple(_d.values())))

</pallas_src>

<mosaic_0001>
#map = affine_map<(d0, d1) -> (0)>
module attributes {stable_mosaic.version = 14 : i64} {
  func.func @_sc_body(%arg0: i32, %arg1: i32, %arg2: memref<16384xf32, #tpu.memory_space<hbm>>, %arg3: memref<4194304xf32, #tpu.memory_space<hbm>>, %arg4: memref<16384xf32, #tpu.memory_space<vmem>>, %arg5: memref<16384xf32, #tpu.memory_space<vmem>>, %arg6: memref<!tpu.dma_semaphore, #tpu.memory_space<semaphore_mem>>) attributes {dimension_semantics = [#tpu.dimension_semantics<core_parallel>, #tpu.dimension_semantics<subcore_parallel>], iteration_bounds = array<i64: 2, 16>, scalar_prefetch = 0 : i64, scratch_operands = 3 : i64, tpu.core_type = #tpu.core_type<sc_vector_subcore>, window_params = [{transform_indices = #map}, {transform_indices = #map}]} {
    %mul3A = arith.constant 16 : i32
    %mul3A_0 = arith.muli %arg0, %mul3A : i32
    %add3A = arith.addi %mul3A_0, %arg1 : i32
    %mul3A_1 = arith.constant 16 : i32
    %mul3A_2 = arith.muli %arg1, %mul3A_1 : i32
    "tpu.region"() ({
      %run_scoped3A = tpu.sem_alloc : memref<!tpu.dma_semaphore, #tpu.memory_space<semaphore_mem>>
      tpu.enqueue_dma source(%arg2 : memref<16384xf32, #tpu.memory_space<hbm>>) target(%arg4 : memref<16384xf32, #tpu.memory_space<vmem>>) target_semaphore(%run_scoped3A : memref<!tpu.dma_semaphore, #tpu.memory_space<semaphore_mem>>)
      tpu.wait_dma2 semaphore(%run_scoped3A : memref<!tpu.dma_semaphore, #tpu.memory_space<semaphore_mem>>) src(%arg2 : memref<16384xf32, #tpu.memory_space<hbm>>) dst(%arg4 : memref<16384xf32, #tpu.memory_space<vmem>>)
      tpu.yield
    }) : () -> ()
    %eq3A = arith.constant 0 : i32
    %eq3A_3 = arith.cmpi eq, %arg0, %eq3A : i32
    %convert_element_type3A = arith.extui %eq3A_3 : i1 to i32
    %cond3A = arith.constant 0 : i32
    %cond3A_4 = arith.cmpi ne, %convert_element_type3A, %cond3A : i32
    scf.if %cond3A_4 {
      %scan3A = arith.constant 0 : i32
      %scan3A_58 = arith.constant 0 : i32
      %scan3A_59 = arith.constant 16 : i32
      %scan3A_60 = arith.addi %scan3A_58, %scan3A_59 : i32
      %scan3A_61 = arith.constant 1 : i32
      scf.for %scan3A_63 = %scan3A_58 to %scan3A_60 step %scan3A_61  : i32 {
        %add3A_64 = arith.addi %mul3A_2, %scan3A_63 : i32
        %mul3A_65 = arith.constant 32 : i32
        %mul3A_66 = arith.muli %add3A_64, %mul3A_65 : i32
        %get3A = arith.index_cast %mul3A_66 : i32 to index
        %get3A_67 = tpu.vector_load %arg4[%get3A] {strides = array<i32>} : memref<16384xf32, #tpu.memory_space<vmem>>, vector<16xf32>,
        %get3A_68 = vector.shape_cast %get3A_67 : vector<16xf32> to vector<16xf32>
        %add3A_69 = arith.constant 16 : i32
        %add3A_70 = arith.addi %mul3A_66, %add3A_69 : i32
        %get3A_71 = arith.index_cast %add3A_70 : i32 to index
        %get3A_72 = tpu.vector_load %arg4[%get3A_71] {strides = array<i32>} : memref<16384xf32, #tpu.memory_space<vmem>>, vector<16xf32>,
        %get3A_73 = vector.shape_cast %get3A_72 : vector<16xf32> to vector<16xf32>
        %mul3A_74 = arith.constant 1024 : i32
        %mul3A_75 = arith.muli %scan3A_63, %mul3A_74 : i32
        %add3A_76 = arith.constant 0 : i32
        %add3A_77 = arith.addi %mul3A_75, %add3A_76 : i32
        %swap3A = arith.index_cast %add3A_77 : i32 to index
        %swap3A_78 = tpu.vector_load %arg5[%swap3A] {strides = array<i32>} : memref<16384xf32, #tpu.memory_space<vmem>>, vector<16xf32>,
        %swap3A_79 = vector.shape_cast %swap3A_78 : vector<16xf32> to vector<16xf32>
        %swap3A_80 = vector.shape_cast %get3A_68 : vector<16xf32> to vector<16xf32>
        tpu.vector_store %arg5[%swap3A], %swap3A_80 {strides = array<i32>} : memref<16384xf32, #tpu.memory_space<vmem>>, vector<16xf32>,
        %mul3A_81 = arith.constant 1024 : i32
        %mul3A_82 = arith.muli %scan3A_63, %mul3A_81 : i32
        %add3A_83 = arith.constant 16 : i32
        %add3A_84 = arith.addi %mul3A_82, %add3A_83 : i32
        %swap3A_85 = arith.index_cast %add3A_84 : i32 to index
        %swap3A_86 = tpu.vector_load %arg5[%swap3A_85] {strides = array<i32>} : memref<16384xf32, #tpu.memory_space<vmem>>, vector<16xf32>,
        %swap3A_87 = vector.shape_cast %swap3A_86 : vector<16xf32> to vector<16xf32>
        %swap3A_88 = vector.shape_cast %get3A_73 : vector<16xf32> to vector<16xf32>
        tpu.vector_store %arg5[%swap3A_85], %swap3A_88 {strides = array<i32>} : memref<16384xf32, #tpu.memory_space<vmem>>, vector<16xf32>,
        %mul3A_89 = arith.constant 1024 : i32
        %mul3A_90 = arith.muli %scan3A_63, %mul3A_89 : i32
        %add3A_91 = arith.constant 32 : i32
        %add3A_92 = arith.addi %mul3A_90, %add3A_91 : i32
        %swap3A_93 = arith.index_cast %add3A_92 : i32 to index
        %swap3A_94 = tpu.vector_load %arg5[%swap3A_93] {strides = array<i32>} : memref<16384xf32, #tpu.memory_space<vmem>>, vector<16xf32>,
        %swap3A_95 = vector.shape_cast %swap3A_94 : vector<16xf32> to vector<16xf32>
        %swap3A_96 = vector.shape_cast %get3A_68 : vector<16xf32> to vector<16xf32>
        tpu.vector_store %arg5[%swap3A_93], %swap3A_96 {strides = array<i32>} : memref<16384xf32, #tpu.memory_space<vmem>>, vector<16xf32>,
        %mul3A_97 = arith.constant 1024 : i32
        %mul3A_98 = arith.muli %scan3A_63, %mul3A_97 : i32
        %add3A_99 = arith.constant 48 : i32
        %add3A_100 = arith.addi %mul3A_98, %add3A_99 : i32
        %swap3A_101 = arith.index_cast %add3A_100 : i32 to index
        %swap3A_102 = tpu.vector_load %arg5[%swap3A_101] {strides = array<i32>} : memref<16384xf32, #tpu.memory_space<vmem>>, vector<16xf32>,
        %swap3A_103 = vector.shape_cast %swap3A_102 : vector<16xf32> to vector<16xf32>
        %swap3A_104 = vector.shape_cast %get3A_73 : vector<16xf32> to vector<16xf32>
        tpu.vector_store %arg5[%swap3A_101], %swap3A_104 {strides = array<i32>} : memref<16384xf32, #tpu.memory_space<vmem>>, vector<16xf32>,
        %mul3A_105 = arith.constant 1024 : i32
        %mul3A_106 = arith.muli %scan3A_63, %mul3A_105 : i32
        %add3A_107 = arith.constant 64 : i32
        %add3A_108 = arith.addi %mul3A_106, %add3A_107 : i32
        %swap3A_109 = arith.index_cast %add3A_108 : i32 to index
        %swap3A_110 = tpu.vector_load %arg5[%swap3A_109] {strides = array<i32>} : memref<16384xf32, #tpu.memory_space<vmem>>, vector<16xf32>,
        %swap3A_111 = vector.shape_cast %swap3A_110 : vector<16xf32> to vector<16xf32>
        %swap3A_112 = vector.shape_cast %get3A_68 : vector<16xf32> to vector<16xf32>
        tpu.vector_store %arg5[%swap3A_109], %swap3A_112 {strides = array<i32>} : memref<16384xf32, #tpu.memory_space<vmem>>, vector<16xf32>,
        %mul3A_113 = arith.constant 1024 : i32
        %mul3A_114 = arith.muli %scan3A_63, %mul3A_113 : i32
        %add3A_115 = arith.constant 80 : i32
        %add3A_116 = arith.addi %mul3A_114, %add3A_115 : i32
        %swap3A_117 = arith.index_cast %add3A_116 : i32 to index
        %swap3A_118 = tpu.vector_load %arg5[%swap3A_117] {strides = array<i32>} : memref<16384xf32, #tpu.memory_space<vmem>>, vector<16xf32>,
        %swap3A_119 = vector.shape_cast %swap3A_118 : vector<16xf32> to vector<16xf32>
        %swap3A_120 = vector.shape_cast %get3A_73 : vector<16xf32> to vector<16xf32>
        tpu.vector_store %arg5[%swap3A_117], %swap3A_120 {strides = array<i32>} : memref<16384xf32, #tpu.memory_space<vmem>>, vector<16xf32>,
        %mul3A_121 = arith.constant 1024 : i32
        %mul3A_122 = arith.muli %scan3A_63, %mul3A_121 : i32
        %add3A_123 = arith.constant 96 : i32
        %add3A_124 = arith.addi %mul3A_122, %add3A_123 : i32
        %swap3A_125 = arith.index_cast %add3A_124 : i32 to index
        %swap3A_126 = tpu.vector_load %arg5[%swap3A_125] {strides = array<i32>} : memref<16384xf32, #tpu.memory_space<vmem>>, vector<16xf32>,
        %swap3A_127 = vector.shape_cast %swap3A_126 : vector<16xf32> to vector<16xf32>
        %swap3A_128 = vector.shape_cast %get3A_68 : vector<16xf32> to vector<16xf32>
        tpu.vector_store %arg5[%swap3A_125], %swap3A_128 {strides = array<i32>} : memref<16384xf32, #tpu.memory_space<vmem>>, vector<16xf32>,
        %mul3A_129 = arith.constant 1024 : i32
        %mul3A_130 = arith.muli %scan3A_63, %mul3A_129 : i32
        %add3A_131 = arith.constant 112 : i32
        %add3A_132 = arith.addi %mul3A_130, %add3A_131 : i32
        %swap3A_133 = arith.index_cast %add3A_132 : i32 to index
        %swap3A_134 = tpu.vector_load %arg5[%swap3A_133] {strides = array<i32>} : memref<16384xf32, #tpu.memory_space<vmem>>, vector<16xf32>,
        %swap3A_135 = vector.shape_cast %swap3A_134 : vector<16xf32> to vector<16xf32>
        %swap3A_136 = vector.shape_cast %get3A_73 : vector<16xf32> to vector<16xf32>
        tpu.vector_store %arg5[%swap3A_133], %swap3A_136 {strides = array<i32>} : memref<16384xf32, #tpu.memory_space<vmem>>, vector<16xf32>,
        %mul3A_137 = arith.constant 1024 : i32
        %mul3A_138 = arith.muli %scan3A_63, %mul3A_137 : i32
        %add3A_139 = arith.constant 128 : i32
        %add3A_140 = arith.addi %mul3A_138, %add3A_139 : i32
        %swap3A_141 = arith.index_cast %add3A_140 : i32 to index
        %swap3A_142 = tpu.vector_load %arg5[%swap3A_141] {strides = array<i32>} : memref<16384xf32, #tpu.memory_space<vmem>>, vector<16xf32>,
        %swap3A_143 = vector.shape_cast %swap3A_142 : vector<16xf32> to vector<16xf32>
        %swap3A_144 = vector.shape_cast %get3A_68 : vector<16xf32> to vector<16xf32>
        tpu.vector_store %arg5[%swap3A_141], %swap3A_144 {strides = array<i32>} : memref<16384xf32, #tpu.memory_space<vmem>>, vector<16xf32>,
        %mul3A_145 = arith.constant 1024 : i32
        %mul3A_146 = arith.muli %scan3A_63, %mul3A_145 : i32
        %add3A_147 = arith.constant 144 : i32
        %add3A_148 = arith.addi %mul3A_146, %add3A_147 : i32
        %swap3A_149 = arith.index_cast %add3A_148 : i32 to index
        %swap3A_150 = tpu.vector_load %arg5[%swap3A_149] {strides = array<i32>} : memref<16384xf32, #tpu.memory_space<vmem>>, vector<16xf32>,
        %swap3A_151 = vector.shape_cast %swap3A_150 : vector<16xf32> to vector<16xf32>
        %swap3A_152 = vector.shape_cast %get3A_73 : vector<16xf32> to vector<16xf32>
        tpu.vector_store %arg5[%swap3A_149], %swap3A_152 {strides = array<i32>} : memref<16384xf32, #tpu.memory_space<vmem>>, vector<16xf32>,
        %mul3A_153 = arith.constant 1024 : i32
        %mul3A_154 = arith.muli %scan3A_63, %mul3A_153 : i32
        %add3A_155 = arith.constant 160 : i32
        %add3A_156 = arith.addi %mul3A_154, %add3A_155 : i32
        %swap3A_157 = arith.index_cast %add3A_156 : i32 to index
        %swap3A_158 = tpu.vector_load %arg5[%swap3A_157] {strides = array<i32>} : memref<16384xf32, #tpu.memory_space<vmem>>, vector<16xf32>,
        %swap3A_159 = vector.shape_cast %swap3A_158 : vector<16xf32> to vector<16xf32>
        %swap3A_160 = vector.shape_cast %get3A_68 : vector<16xf32> to vector<16xf32>
        tpu.vector_store %arg5[%swap3A_157], %swap3A_160 {strides = array<i32>} : memref<16384xf32, #tpu.memory_space<vmem>>, vector<16xf32>,
        %mul3A_161 = arith.constant 1024 : i32
        %mul3A_162 = arith.muli %scan3A_63, %mul3A_161 : i32
        %add3A_163 = arith.constant 176 : i32
        %add3A_164 = arith.addi %mul3A_162, %add3A_163 : i32
        %swap3A_165 = arith.index_cast %add3A_164 : i32 to index
        %swap3A_166 = tpu.vector_load %arg5[%swap3A_165] {strides = array<i32>} : memref<16384xf32, #tpu.memory_space<vmem>>, vector<16xf32>,
        %swap3A_167 = vector.shape_cast %swap3A_166 : vector<16xf32> to vector<16xf32>
        %swap3A_168 = vector.shape_cast %get3A_73 : vector<16xf32> to vector<16xf32>
        tpu.vector_store %arg5[%swap3A_165], %swap3A_168 {strides = array<i32>} : memref<16384xf32, #tpu.memory_space<vmem>>, vector<16xf32>,
        %mul3A_169 = arith.constant 1024 : i32
        %mul3A_170 = arith.muli %scan3A_63, %mul3A_169 : i32
        %add3A_171 = arith.constant 192 : i32
        %add3A_172 = arith.addi %mul3A_170, %add3A_171 : i32
        %swap3A_173 = arith.index_cast %add3A_172 : i32 to index
        %swap3A_174 = tpu.vector_load %arg5[%swap3A_173] {strides = array<i32>} : memref<16384xf32, #tpu.memory_space<vmem>>, vector<16xf32>,
        %swap3A_175 = vector.shape_cast %swap3A_174 : vector<16xf32> to vector<16xf32>
        %swap3A_176 = vector.shape_cast %get3A_68 : vector<16xf32> to vector<16xf32>
        tpu.vector_store %arg5[%swap3A_173], %swap3A_176 {strides = array<i32>} : memref<16384xf32, #tpu.memory_space<vmem>>, vector<16xf32>,
        %mul3A_177 = arith.constant 1024 : i32
        %mul3A_178 = arith.muli %scan3A_63, %mul3A_177 : i32
        %add3A_179 = arith.constant 208 : i32
        %add3A_180 = arith.addi %mul3A_178, %add3A_179 : i32
        %swap3A_181 = arith.index_cast %add3A_180 : i32 to index
        %swap3A_182 = tpu.vector_load %arg5[%swap3A_181] {strides = array<i32>} : memref<16384xf32, #tpu.memory_space<vmem>>, vector<16xf32>,
        %swap3A_183 = vector.shape_cast %swap3A_182 : vector<16xf32> to vector<16xf32>
        %swap3A_184 = vector.shape_cast %get3A_73 : vector<16xf32> to vector<16xf32>
        tpu.vector_store %arg5[%swap3A_181], %swap3A_184 {strides = array<i32>} : memref<16384xf32, #tpu.memory_space<vmem>>, vector<16xf32>,
        %mul3A_185 = arith.constant 1024 : i32
        %mul3A_186 = arith.muli %scan3A_63, %mul3A_185 : i32
        %add3A_187 = arith.constant 224 : i32
        %add3A_188 = arith.addi %mul3A_186, %add3A_187 : i32
        %swap3A_189 = arith.index_cast %add3A_188 : i32 to index
        %swap3A_190 = tpu.vector_load %arg5[%swap3A_189] {strides = array<i32>} : memref<16384xf32, #tpu.memory_space<vmem>>, vector<16xf32>,
        %swap3A_191 = vector.shape_cast %swap3A_190 : vector<16xf32> to vector<16xf32>
        %swap3A_192 = vector.shape_cast %get3A_68 : vector<16xf32> to vector<16xf32>
        tpu.vector_store %arg5[%swap3A_189], %swap3A_192 {strides = array<i32>} : memref<16384xf32, #tpu.memory_space<vmem>>, vector<16xf32>,
        %mul3A_193 = arith.constant 1024 : i32
        %mul3A_194 = arith.muli %scan3A_63, %mul3A_193 : i32
        %add3A_195 = arith.constant 240 : i32
        %add3A_196 = arith.addi %mul3A_194, %add3A_195 : i32
        %swap3A_197 = arith.index_cast %add3A_196 : i32 to index
        %swap3A_198 = tpu.vector_load %arg5[%swap3A_197] {strides = array<i32>} : memref<16384xf32, #tpu.memory_space<vmem>>, vector<16xf32>,
        %swap3A_199 = vector.shape_cast %swap3A_198 : vector<16xf32> to vector<16xf32>
        %swap3A_200 = vector.shape_cast %get3A_73 : vector<16xf32> to vector<16xf32>
        tpu.vector_store %arg5[%swap3A_197], %swap3A_200 {strides = array<i32>} : memref<16384xf32, #tpu.memory_space<vmem>>, vector<16xf32>,
        %mul3A_201 = arith.constant 1024 : i32
        %mul3A_202 = arith.muli %scan3A_63, %mul3A_201 : i32
        %add3A_203 = arith.constant 256 : i32
        %add3A_204 = arith.addi %mul3A_202, %add3A_203 : i32
        %swap3A_205 = arith.index_cast %add3A_204 : i32 to index
        %swap3A_206 = tpu.vector_load %arg5[%swap3A_205] {strides = array<i32>} : memref<16384xf32, #tpu.memory_space<vmem>>, vector<16xf32>,
        %swap3A_207 = vector.shape_cast %swap3A_206 : vector<16xf32> to vector<16xf32>
        %swap3A_208 = vector.shape_cast %get3A_68 : vector<16xf32> to vector<16xf32>
        tpu.vector_store %arg5[%swap3A_205], %swap3A_208 {strides = array<i32>} : memref<16384xf32, #tpu.memory_space<vmem>>, vector<16xf32>,
        %mul3A_209 = arith.constant 1024 : i32
        %mul3A_210 = arith.muli %scan3A_63, %mul3A_209 : i32
        %add3A_211 = arith.constant 272 : i32
        %add3A_212 = arith.addi %mul3A_210, %add3A_211 : i32
        %swap3A_213 = arith.index_cast %add3A_212 : i32 to index
        %swap3A_214 = tpu.vector_load %arg5[%swap3A_213] {strides = array<i32>} : memref<16384xf32, #tpu.memory_space<vmem>>, vector<16xf32>,
        %swap3A_215 = vector.shape_cast %swap3A_214 : vector<16xf32> to vector<16xf32>
        %swap3A_216 = vector.shape_cast %get3A_73 : vector<16xf32> to vector<16xf32>
        tpu.vector_store %arg5[%swap3A_213], %swap3A_216 {strides = array<i32>} : memref<16384xf32, #tpu.memory_space<vmem>>, vector<16xf32>,
        %mul3A_217 = arith.constant 1024 : i32
        %mul3A_218 = arith.muli %scan3A_63, %mul3A_217 : i32
        %add3A_219 = arith.constant 288 : i32
        %add3A_220 = arith.addi %mul3A_218, %add3A_219 : i32
        %swap3A_221 = arith.index_cast %add3A_220 : i32 to index
        %swap3A_222 = tpu.vector_load %arg5[%swap3A_221] {strides = array<i32>} : memref<16384xf32, #tpu.memory_space<vmem>>, vector<16xf32>,
        %swap3A_223 = vector.shape_cast %swap3A_222 : vector<16xf32> to vector<16xf32>
        %swap3A_224 = vector.shape_cast %get3A_68 : vector<16xf32> to vector<16xf32>
        tpu.vector_store %arg5[%swap3A_221], %swap3A_224 {strides = array<i32>} : memref<16384xf32, #tpu.memory_space<vmem>>, vector<16xf32>,
        %mul3A_225 = arith.constant 1024 : i32
        %mul3A_226 = arith.muli %scan3A_63, %mul3A_225 : i32
        %add3A_227 = arith.constant 304 : i32
        %add3A_228 = arith.addi %mul3A_226, %add3A_227 : i32
        %swap3A_229 = arith.index_cast %add3A_228 : i32 to index
        %swap3A_230 = tpu.vector_load %arg5[%swap3A_229] {strides = array<i32>} : memref<16384xf32, #tpu.memory_space<vmem>>, vector<16xf32>,
        %swap3A_231 = vector.shape_cast %swap3A_230 : vector<16xf32> to vector<16xf32>
        %swap3A_232 = vector.shape_cast %get3A_73 : vector<16xf32> to vector<16xf32>
        tpu.vector_store %arg5[%swap3A_229], %swap3A_232 {strides = array<i32>} : memref<16384xf32, #tpu.memory_space<vmem>>, vector<16xf32>,
        %mul3A_233 = arith.constant 1024 : i32
        %mul3A_234 = arith.muli %scan3A_63, %mul3A_233 : i32
        %add3A_235 = arith.constant 320 : i32
        %add3A_236 = arith.addi %mul3A_234, %add3A_235 : i32
        %swap3A_237 = arith.index_cast %add3A_236 : i32 to index
        %swap3A_238 = tpu.vector_load %arg5[%swap3A_237] {strides = array<i32>} : memref<16384xf32, #tpu.memory_space<vmem>>, vector<16xf32>,
        %swap3A_239 = vector.shape_cast %swap3A_238 : vector<16xf32> to vector<16xf32>
        %swap3A_240 = vector.shape_cast %get3A_68 : vector<16xf32> to vector<16xf32>
        tpu.vector_store %arg5[%swap3A_237], %swap3A_240 {strides = array<i32>} : memref<16384xf32, #tpu.memory_space<vmem>>, vector<16xf32>,
        %mul3A_241 = arith.constant 1024 : i32
        %mul3A_242 = arith.muli %scan3A_63, %mul3A_241 : i32
        %add3A_243 = arith.constant 336 : i32
        %add3A_244 = arith.addi %mul3A_242, %add3A_243 : i32
        %swap3A_245 = arith.index_cast %add3A_244 : i32 to index
        %swap3A_246 = tpu.vector_load %arg5[%swap3A_245] {strides = array<i32>} : memref<16384xf32, #tpu.memory_space<vmem>>, vector<16xf32>,
        %swap3A_247 = vector.shape_cast %swap3A_246 : vector<16xf32> to vector<16xf32>
        %swap3A_248 = vector.shape_cast %get3A_73 : vector<16xf32> to vector<16xf32>
        tpu.vector_store %arg5[%swap3A_245], %swap3A_248 {strides = array<i32>} : memref<16384xf32, #tpu.memory_space<vmem>>, vector<16xf32>,
        %mul3A_249 = arith.constant 1024 : i32
        %mul3A_250 = arith.muli %scan3A_63, %mul3A_249 : i32
        %add3A_251 = arith.constant 352 : i32
        %add3A_252 = arith.addi %mul3A_250, %add3A_251 : i32
        %swap3A_253 = arith.index_cast %add3A_252 : i32 to index
        %swap3A_254 = tpu.vector_load %arg5[%swap3A_253] {strides = array<i32>} : memref<16384xf32, #tpu.memory_space<vmem>>, vector<16xf32>,
        %swap3A_255 = vector.shape_cast %swap3A_254 : vector<16xf32> to vector<16xf32>
        %swap3A_256 = vector.shape_cast %get3A_68 : vector<16xf32> to vector<16xf32>
        tpu.vector_store %arg5[%swap3A_253], %swap3A_256 {strides = array<i32>} : memref<16384xf32, #tpu.memory_space<vmem>>, vector<16xf32>,
        %mul3A_257 = arith.constant 1024 : i32
        %mul3A_258 = arith.muli %scan3A_63, %mul3A_257 : i32
        %add3A_259 = arith.constant 368 : i32
        %add3A_260 = arith.addi %mul3A_258, %add3A_259 : i32
        %swap3A_261 = arith.index_cast %add3A_260 : i32 to index
        %swap3A_262 = tpu.vector_load %arg5[%swap3A_261] {strides = array<i32>} : memref<16384xf32, #tpu.memory_space<vmem>>, vector<16xf32>,
        %swap3A_263 = vector.shape_cast %swap3A_262 : vector<16xf32> to vector<16xf32>
        %swap3A_264 = vector.shape_cast %get3A_73 : vector<16xf32> to vector<16xf32>
        tpu.vector_store %arg5[%swap3A_261], %swap3A_264 {strides = array<i32>} : memref<16384xf32, #tpu.memory_space<vmem>>, vector<16xf32>,
        %mul3A_265 = arith.constant 1024 : i32
        %mul3A_266 = arith.muli %scan3A_63, %mul3A_265 : i32
        %add3A_267 = arith.constant 384 : i32
        %add3A_268 = arith.addi %mul3A_266, %add3A_267 : i32
        %swap3A_269 = arith.index_cast %add3A_268 : i32 to index
        %swap3A_270 = tpu.vector_load %arg5[%swap3A_269] {strides = array<i32>} : memref<16384xf32, #tpu.memory_space<vmem>>, vector<16xf32>,
        %swap3A_271 = vector.shape_cast %swap3A_270 : vector<16xf32> to vector<16xf32>
        %swap3A_272 = vector.shape_cast %get3A_68 : vector<16xf32> to vector<16xf32>
        tpu.vector_store %arg5[%swap3A_269], %swap3A_272 {strides = array<i32>} : memref<16384xf32, #tpu.memory_space<vmem>>, vector<16xf32>,
        %mul3A_273 = arith.constant 1024 : i32
        %mul3A_274 = arith.muli %scan3A_63, %mul3A_273 : i32
        %add3A_275 = arith.constant 400 : i32
        %add3A_276 = arith.addi %mul3A_274, %add3A_275 : i32
        %swap3A_277 = arith.index_cast %add3A_276 : i32 to index
        %swap3A_278 = tpu.vector_load %arg5[%swap3A_277] {strides = array<i32>} : memref<16384xf32, #tpu.memory_space<vmem>>, vector<16xf32>,
        %swap3A_279 = vector.shape_cast %swap3A_278 : vector<16xf32> to vector<16xf32>
        %swap3A_280 = vector.shape_cast %get3A_73 : vector<16xf32> to vector<16xf32>
        tpu.vector_store %arg5[%swap3A_277], %swap3A_280 {strides = array<i32>} : memref<16384xf32, #tpu.memory_space<vmem>>, vector<16xf32>,
        %mul3A_281 = arith.constant 1024 : i32
        %mul3A_282 = arith.muli %scan3A_63, %mul3A_281 : i32
        %add3A_283 = arith.constant 416 : i32
        %add3A_284 = arith.addi %mul3A_282, %add3A_283 : i32
        %swap3A_285 = arith.index_cast %add3A_284 : i32 to index
        %swap3A_286 = tpu.vector_load %arg5[%swap3A_285] {strides = array<i32>} : memref<16384xf32, #tpu.memory_space<vmem>>, vector<16xf32>,
        %swap3A_287 = vector.shape_cast %swap3A_286 : vector<16xf32> to vector<16xf32>
        %swap3A_288 = vector.shape_cast %get3A_68 : vector<16xf32> to vector<16xf32>
        tpu.vector_store %arg5[%swap3A_285], %swap3A_288 {strides = array<i32>} : memref<16384xf32, #tpu.memory_space<vmem>>, vector<16xf32>,
        %mul3A_289 = arith.constant 1024 : i32
        %mul3A_290 = arith.muli %scan3A_63, %mul3A_289 : i32
        %add3A_291 = arith.constant 432 : i32
        %add3A_292 = arith.addi %mul3A_290, %add3A_291 : i32
        %swap3A_293 = arith.index_cast %add3A_292 : i32 to index
        %swap3A_294 = tpu.vector_load %arg5[%swap3A_293] {strides = array<i32>} : memref<16384xf32, #tpu.memory_space<vmem>>, vector<16xf32>,
        %swap3A_295 = vector.shape_cast %swap3A_294 : vector<16xf32> to vector<16xf32>
        %swap3A_296 = vector.shape_cast %get3A_73 : vector<16xf32> to vector<16xf32>
        tpu.vector_store %arg5[%swap3A_293], %swap3A_296 {strides = array<i32>} : memref<16384xf32, #tpu.memory_space<vmem>>, vector<16xf32>,
        %mul3A_297 = arith.constant 1024 : i32
        %mul3A_298 = arith.muli %scan3A_63, %mul3A_297 : i32
        %add3A_299 = arith.constant 448 : i32
        %add3A_300 = arith.addi %mul3A_298, %add3A_299 : i32
        %swap3A_301 = arith.index_cast %add3A_300 : i32 to index
        %swap3A_302 = tpu.vector_load %arg5[%swap3A_301] {strides = array<i32>} : memref<16384xf32, #tpu.memory_space<vmem>>, vector<16xf32>,
        %swap3A_303 = vector.shape_cast %swap3A_302 : vector<16xf32> to vector<16xf32>
        %swap3A_304 = vector.shape_cast %get3A_68 : vector<16xf32> to vector<16xf32>
        tpu.vector_store %arg5[%swap3A_301], %swap3A_304 {strides = array<i32>} : memref<16384xf32, #tpu.memory_space<vmem>>, vector<16xf32>,
        %mul3A_305 = arith.constant 1024 : i32
        %mul3A_306 = arith.muli %scan3A_63, %mul3A_305 : i32
        %add3A_307 = arith.constant 464 : i32
        %add3A_308 = arith.addi %mul3A_306, %add3A_307 : i32
        %swap3A_309 = arith.index_cast %add3A_308 : i32 to index
        %swap3A_310 = tpu.vector_load %arg5[%swap3A_309] {strides = array<i32>} : memref<16384xf32, #tpu.memory_space<vmem>>, vector<16xf32>,
        %swap3A_311 = vector.shape_cast %swap3A_310 : vector<16xf32> to vector<16xf32>
        %swap3A_312 = vector.shape_cast %get3A_73 : vector<16xf32> to vector<16xf32>
        tpu.vector_store %arg5[%swap3A_309], %swap3A_312 {strides = array<i32>} : memref<16384xf32, #tpu.memory_space<vmem>>, vector<16xf32>,
        %mul3A_313 = arith.constant 1024 : i32
        %mul3A_314 = arith.muli %scan3A_63, %mul3A_313 : i32
        %add3A_315 = arith.constant 480 : i32
        %add3A_316 = arith.addi %mul3A_314, %add3A_315 : i32
        %swap3A_317 = arith.index_cast %add3A_316 : i32 to index
        %swap3A_318 = tpu.vector_load %arg5[%swap3A_317] {strides = array<i32>} : memref<16384xf32, #tpu.memory_space<vmem>>, vector<16xf32>,
        %swap3A_319 = vector.shape_cast %swap3A_318 : vector<16xf32> to vector<16xf32>
        %swap3A_320 = vector.shape_cast %get3A_68 : vector<16xf32> to vector<16xf32>
        tpu.vector_store %arg5[%swap3A_317], %swap3A_320 {strides = array<i32>} : memref<16384xf32, #tpu.memory_space<vmem>>, vector<16xf32>,
        %mul3A_321 = arith.constant 1024 : i32
        %mul3A_322 = arith.muli %scan3A_63, %mul3A_321 : i32
        %add3A_323 = arith.constant 496 : i32
        %add3A_324 = arith.addi %mul3A_322, %add3A_323 : i32
        %swap3A_325 = arith.index_cast %add3A_324 : i32 to index
        %swap3A_326 = tpu.vector_load %arg5[%swap3A_325] {strides = array<i32>} : memref<16384xf32, #tpu.memory_space<vmem>>, vector<16xf32>,
        %swap3A_327 = vector.shape_cast %swap3A_326 : vector<16xf32> to vector<16xf32>
        %swap3A_328 = vector.shape_cast %get3A_73 : vector<16xf32> to vector<16xf32>
        tpu.vector_store %arg5[%swap3A_325], %swap3A_328 {strides = array<i32>} : memref<16384xf32, #tpu.memory_space<vmem>>, vector<16xf32>,
        %mul3A_329 = arith.constant 1024 : i32
        %mul3A_330 = arith.muli %scan3A_63, %mul3A_329 : i32
        %add3A_331 = arith.constant 512 : i32
        %add3A_332 = arith.addi %mul3A_330, %add3A_331 : i32
        %swap3A_333 = arith.index_cast %add3A_332 : i32 to index
        %swap3A_334 = tpu.vector_load %arg5[%swap3A_333] {strides = array<i32>} : memref<16384xf32, #tpu.memory_space<vmem>>, vector<16xf32>,
        %swap3A_335 = vector.shape_cast %swap3A_334 : vector<16xf32> to vector<16xf32>
        %swap3A_336 = vector.shape_cast %get3A_68 : vector<16xf32> to vector<16xf32>
        tpu.vector_store %arg5[%swap3A_333], %swap3A_336 {strides = array<i32>} : memref<16384xf32, #tpu.memory_space<vmem>>, vector<16xf32>,
        %mul3A_337 = arith.constant 1024 : i32
        %mul3A_338 = arith.muli %scan3A_63, %mul3A_337 : i32
        %add3A_339 = arith.constant 528 : i32
        %add3A_340 = arith.addi %mul3A_338, %add3A_339 : i32
        %swap3A_341 = arith.index_cast %add3A_340 : i32 to index
        %swap3A_342 = tpu.vector_load %arg5[%swap3A_341] {strides = array<i32>} : memref<16384xf32, #tpu.memory_space<vmem>>, vector<16xf32>,
        %swap3A_343 = vector.shape_cast %swap3A_342 : vector<16xf32> to vector<16xf32>
        %swap3A_344 = vector.shape_cast %get3A_73 : vector<16xf32> to vector<16xf32>
        tpu.vector_store %arg5[%swap3A_341], %swap3A_344 {strides = array<i32>} : memref<16384xf32, #tpu.memory_space<vmem>>, vector<16xf32>,
        %mul3A_345 = arith.constant 1024 : i32
        %mul3A_346 = arith.muli %scan3A_63, %mul3A_345 : i32
        %add3A_347 = arith.constant 544 : i32
        %add3A_348 = arith.addi %mul3A_346, %add3A_347 : i32
        %swap3A_349 = arith.index_cast %add3A_348 : i32 to index
        %swap3A_350 = tpu.vector_load %arg5[%swap3A_349] {strides = array<i32>} : memref<16384xf32, #tpu.memory_space<vmem>>, vector<16xf32>,
        %swap3A_351 = vector.shape_cast %swap3A_350 : vector<16xf32> to vector<16xf32>
        %swap3A_352 = vector.shape_cast %get3A_68 : vector<16xf32> to vector<16xf32>
        tpu.vector_store %arg5[%swap3A_349], %swap3A_352 {strides = array<i32>} : memref<16384xf32, #tpu.memory_space<vmem>>, vector<16xf32>,
        %mul3A_353 = arith.constant 1024 : i32
        %mul3A_354 = arith.muli %scan3A_63, %mul3A_353 : i32
        %add3A_355 = arith.constant 560 : i32
        %add3A_356 = arith.addi %mul3A_354, %add3A_355 : i32
        %swap3A_357 = arith.index_cast %add3A_356 : i32 to index
        %swap3A_358 = tpu.vector_load %arg5[%swap3A_357] {strides = array<i32>} : memref<16384xf32, #tpu.memory_space<vmem>>, vector<16xf32>,
        %swap3A_359 = vector.shape_cast %swap3A_358 : vector<16xf32> to vector<16xf32>
        %swap3A_360 = vector.shape_cast %get3A_73 : vector<16xf32> to vector<16xf32>
        tpu.vector_store %arg5[%swap3A_357], %swap3A_360 {strides = array<i32>} : memref<16384xf32, #tpu.memory_space<vmem>>, vector<16xf32>,
        %mul3A_361 = arith.constant 1024 : i32
        %mul3A_362 = arith.muli %scan3A_63, %mul3A_361 : i32
        %add3A_363 = arith.constant 576 : i32
        %add3A_364 = arith.addi %mul3A_362, %add3A_363 : i32
        %swap3A_365 = arith.index_cast %add3A_364 : i32 to index
        %swap3A_366 = tpu.vector_load %arg5[%swap3A_365] {strides = array<i32>} : memref<16384xf32, #tpu.memory_space<vmem>>, vector<16xf32>,
        %swap3A_367 = vector.shape_cast %swap3A_366 : vector<16xf32> to vector<16xf32>
        %swap3A_368 = vector.shape_cast %get3A_68 : vector<16xf32> to vector<16xf32>
        tpu.vector_store %arg5[%swap3A_365], %swap3A_368 {strides = array<i32>} : memref<16384xf32, #tpu.memory_space<vmem>>, vector<16xf32>,
        %mul3A_369 = arith.constant 1024 : i32
        %mul3A_370 = arith.muli %scan3A_63, %mul3A_369 : i32
        %add3A_371 = arith.constant 592 : i32
        %add3A_372 = arith.addi %mul3A_370, %add3A_371 : i32
        %swap3A_373 = arith.index_cast %add3A_372 : i32 to index
        %swap3A_374 = tpu.vector_load %arg5[%swap3A_373] {strides = array<i32>} : memref<16384xf32, #tpu.memory_space<vmem>>, vector<16xf32>,
        %swap3A_375 = vector.shape_cast %swap3A_374 : vector<16xf32> to vector<16xf32>
        %swap3A_376 = vector.shape_cast %get3A_73 : vector<16xf32> to vector<16xf32>
        tpu.vector_store %arg5[%swap3A_373], %swap3A_376 {strides = array<i32>} : memref<16384xf32, #tpu.memory_space<vmem>>, vector<16xf32>,
        %mul3A_377 = arith.constant 1024 : i32
        %mul3A_378 = arith.muli %scan3A_63, %mul3A_377 : i32
        %add3A_379 = arith.constant 608 : i32
        %add3A_380 = arith.addi %mul3A_378, %add3A_379 : i32
        %swap3A_381 = arith.index_cast %add3A_380 : i32 to index
        %swap3A_382 = tpu.vector_load %arg5[%swap3A_381] {strides = array<i32>} : memref<16384xf32, #tpu.memory_space<vmem>>, vector<16xf32>,
        %swap3A_383 = vector.shape_cast %swap3A_382 : vector<16xf32> to vector<16xf32>
        %swap3A_384 = vector.shape_cast %get3A_68 : vector<16xf32> to vector<16xf32>
        tpu.vector_store %arg5[%swap3A_381], %swap3A_384 {strides = array<i32>} : memref<16384xf32, #tpu.memory_space<vmem>>, vector<16xf32>,
        %mul3A_385 = arith.constant 1024 : i32
        %mul3A_386 = arith.muli %scan3A_63, %mul3A_385 : i32
        %add3A_387 = arith.constant 624 : i32
        %add3A_388 = arith.addi %mul3A_386, %add3A_387 : i32
        %swap3A_389 = arith.index_cast %add3A_388 : i32 to index
        %swap3A_390 = tpu.vector_load %arg5[%swap3A_389] {strides = array<i32>} : memref<16384xf32, #tpu.memory_space<vmem>>, vector<16xf32>,
        %swap3A_391 = vector.shape_cast %swap3A_390 : vector<16xf32> to vector<16xf32>
        %swap3A_392 = vector.shape_cast %get3A_73 : vector<16xf32> to vector<16xf32>
        tpu.vector_store %arg5[%swap3A_389], %swap3A_392 {strides = array<i32>} : memref<16384xf32, #tpu.memory_space<vmem>>, vector<16xf32>,
        %mul3A_393 = arith.constant 1024 : i32
        %mul3A_394 = arith.muli %scan3A_63, %mul3A_393 : i32
        %add3A_395 = arith.constant 640 : i32
        %add3A_396 = arith.addi %mul3A_394, %add3A_395 : i32
        %swap3A_397 = arith.index_cast %add3A_396 : i32 to index
        %swap3A_398 = tpu.vector_load %arg5[%swap3A_397] {strides = array<i32>} : memref<16384xf32, #tpu.memory_space<vmem>>, vector<16xf32>,
        %swap3A_399 = vector.shape_cast %swap3A_398 : vector<16xf32> to vector<16xf32>
        %swap3A_400 = vector.shape_cast %get3A_68 : vector<16xf32> to vector<16xf32>
        tpu.vector_store %arg5[%swap3A_397], %swap3A_400 {strides = array<i32>} : memref<16384xf32, #tpu.memory_space<vmem>>, vector<16xf32>,
        %mul3A_401 = arith.constant 1024 : i32
        %mul3A_402 = arith.muli %scan3A_63, %mul3A_401 : i32
        %add3A_403 = arith.constant 656 : i32
        %add3A_404 = arith.addi %mul3A_402, %add3A_403 : i32
        %swap3A_405 = arith.index_cast %add3A_404 : i32 to index
        %swap3A_406 = tpu.vector_load %arg5[%swap3A_405] {strides = array<i32>} : memref<16384xf32, #tpu.memory_space<vmem>>, vector<16xf32>,
        %swap3A_407 = vector.shape_cast %swap3A_406 : vector<16xf32> to vector<16xf32>
        %swap3A_408 = vector.shape_cast %get3A_73 : vector<16xf32> to vector<16xf32>
        tpu.vector_store %arg5[%swap3A_405], %swap3A_408 {strides = array<i32>} : memref<16384xf32, #tpu.memory_space<vmem>>, vector<16xf32>,
        %mul3A_409 = arith.constant 1024 : i32
        %mul3A_410 = arith.muli %scan3A_63, %mul3A_409 : i32
        %add3A_411 = arith.constant 672 : i32
        %add3A_412 = arith.addi %mul3A_410, %add3A_411 : i32
        %swap3A_413 = arith.index_cast %add3A_412 : i32 to index
        %swap3A_414 = tpu.vector_load %arg5[%swap3A_413] {strides = array<i32>} : memref<16384xf32, #tpu.memory_space<vmem>>, vector<16xf32>,
        %swap3A_415 = vector.shape_cast %swap3A_414 : vector<16xf32> to vector<16xf32>
        %swap3A_416 = vector.shape_cast %get3A_68 : vector<16xf32> to vector<16xf32>
        tpu.vector_store %arg5[%swap3A_413], %swap3A_416 {strides = array<i32>} : memref<16384xf32, #tpu.memory_space<vmem>>, vector<16xf32>,
        %mul3A_417 = arith.constant 1024 : i32
        %mul3A_418 = arith.muli %scan3A_63, %mul3A_417 : i32
        %add3A_419 = arith.constant 688 : i32
        %add3A_420 = arith.addi %mul3A_418, %add3A_419 : i32
        %swap3A_421 = arith.index_cast %add3A_420 : i32 to index
        %swap3A_422 = tpu.vector_load %arg5[%swap3A_421] {strides = array<i32>} : memref<16384xf32, #tpu.memory_space<vmem>>, vector<16xf32>,
        %swap3A_423 = vector.shape_cast %swap3A_422 : vector<16xf32> to vector<16xf32>
        %swap3A_424 = vector.shape_cast %get3A_73 : vector<16xf32> to vector<16xf32>
        tpu.vector_store %arg5[%swap3A_421], %swap3A_424 {strides = array<i32>} : memref<16384xf32, #tpu.memory_space<vmem>>, vector<16xf32>,
        %mul3A_425 = arith.constant 1024 : i32
        %mul3A_426 = arith.muli %scan3A_63, %mul3A_425 : i32
        %add3A_427 = arith.constant 704 : i32
        %add3A_428 = arith.addi %mul3A_426, %add3A_427 : i32
        %swap3A_429 = arith.index_cast %add3A_428 : i32 to index
        %swap3A_430 = tpu.vector_load %arg5[%swap3A_429] {strides = array<i32>} : memref<16384xf32, #tpu.memory_space<vmem>>, vector<16xf32>,
        %swap3A_431 = vector.shape_cast %swap3A_430 : vector<16xf32> to vector<16xf32>
        %swap3A_432 = vector.shape_cast %get3A_68 : vector<16xf32> to vector<16xf32>
        tpu.vector_store %arg5[%swap3A_429], %swap3A_432 {strides = array<i32>} : memref<16384xf32, #tpu.memory_space<vmem>>, vector<16xf32>,
        %mul3A_433 = arith.constant 1024 : i32
        %mul3A_434 = arith.muli %scan3A_63, %mul3A_433 : i32
        %add3A_435 = arith.constant 720 : i32
        %add3A_436 = arith.addi %mul3A_434, %add3A_435 : i32
        %swap3A_437 = arith.index_cast %add3A_436 : i32 to index
        %swap3A_438 = tpu.vector_load %arg5[%swap3A_437] {strides = array<i32>} : memref<16384xf32, #tpu.memory_space<vmem>>, vector<16xf32>,
        %swap3A_439 = vector.shape_cast %swap3A_438 : vector<16xf32> to vector<16xf32>
        %swap3A_440 = vector.shape_cast %get3A_73 : vector<16xf32> to vector<16xf32>
        tpu.vector_store %arg5[%swap3A_437], %swap3A_440 {strides = array<i32>} : memref<16384xf32, #tpu.memory_space<vmem>>, vector<16xf32>,
        %mul3A_441 = arith.constant 1024 : i32
        %mul3A_442 = arith.muli %scan3A_63, %mul3A_441 : i32
        %add3A_443 = arith.constant 736 : i32
        %add3A_444 = arith.addi %mul3A_442, %add3A_443 : i32
        %swap3A_445 = arith.index_cast %add3A_444 : i32 to index
        %swap3A_446 = tpu.vector_load %arg5[%swap3A_445] {strides = array<i32>} : memref<16384xf32, #tpu.memory_space<vmem>>, vector<16xf32>,
        %swap3A_447 = vector.shape_cast %swap3A_446 : vector<16xf32> to vector<16xf32>
        %swap3A_448 = vector.shape_cast %get3A_68 : vector<16xf32> to vector<16xf32>
        tpu.vector_store %arg5[%swap3A_445], %swap3A_448 {strides = array<i32>} : memref<16384xf32, #tpu.memory_space<vmem>>, vector<16xf32>,
        %mul3A_449 = arith.constant 1024 : i32
        %mul3A_450 = arith.muli %scan3A_63, %mul3A_449 : i32
        %add3A_451 = arith.constant 752 : i32
        %add3A_452 = arith.addi %mul3A_450, %add3A_451 : i32
        %swap3A_453 = arith.index_cast %add3A_452 : i32 to index
        %swap3A_454 = tpu.vector_load %arg5[%swap3A_453] {strides = array<i32>} : memref<16384xf32, #tpu.memory_space<vmem>>, vector<16xf32>,
        %swap3A_455 = vector.shape_cast %swap3A_454 : vector<16xf32> to vector<16xf32>
        %swap3A_456 = vector.shape_cast %get3A_73 : vector<16xf32> to vector<16xf32>
        tpu.vector_store %arg5[%swap3A_453], %swap3A_456 {strides = array<i32>} : memref<16384xf32, #tpu.memory_space<vmem>>, vector<16xf32>,
        %mul3A_457 = arith.constant 1024 : i32
        %mul3A_458 = arith.muli %scan3A_63, %mul3A_457 : i32
        %add3A_459 = arith.constant 768 : i32
        %add3A_460 = arith.addi %mul3A_458, %add3A_459 : i32
        %swap3A_461 = arith.index_cast %add3A_460 : i32 to index
        %swap3A_462 = tpu.vector_load %arg5[%swap3A_461] {strides = array<i32>} : memref<16384xf32, #tpu.memory_space<vmem>>, vector<16xf32>,
        %swap3A_463 = vector.shape_cast %swap3A_462 : vector<16xf32> to vector<16xf32>
        %swap3A_464 = vector.shape_cast %get3A_68 : vector<16xf32> to vector<16xf32>
        tpu.vector_store %arg5[%swap3A_461], %swap3A_464 {strides = array<i32>} : memref<16384xf32, #tpu.memory_space<vmem>>, vector<16xf32>,
        %mul3A_465 = arith.constant 1024 : i32
        %mul3A_466 = arith.muli %scan3A_63, %mul3A_465 : i32
        %add3A_467 = arith.constant 784 : i32
        %add3A_468 = arith.addi %mul3A_466, %add3A_467 : i32
        %swap3A_469 = arith.index_cast %add3A_468 : i32 to index
        %swap3A_470 = tpu.vector_load %arg5[%swap3A_469] {strides = array<i32>} : memref<16384xf32, #tpu.memory_space<vmem>>, vector<16xf32>,
        %swap3A_471 = vector.shape_cast %swap3A_470 : vector<16xf32> to vector<16xf32>
        %swap3A_472 = vector.shape_cast %get3A_73 : vector<16xf32> to vector<16xf32>
        tpu.vector_store %arg5[%swap3A_469], %swap3A_472 {strides = array<i32>} : memref<16384xf32, #tpu.memory_space<vmem>>, vector<16xf32>,
        %mul3A_473 = arith.constant 1024 : i32
        %mul3A_474 = arith.muli %scan3A_63, %mul3A_473 : i32
        %add3A_475 = arith.constant 800 : i32
        %add3A_476 = arith.addi %mul3A_474, %add3A_475 : i32
        %swap3A_477 = arith.index_cast %add3A_476 : i32 to index
        %swap3A_478 = tpu.vector_load %arg5[%swap3A_477] {strides = array<i32>} : memref<16384xf32, #tpu.memory_space<vmem>>, vector<16xf32>,
        %swap3A_479 = vector.shape_cast %swap3A_478 : vector<16xf32> to vector<16xf32>
        %swap3A_480 = vector.shape_cast %get3A_68 : vector<16xf32> to vector<16xf32>
        tpu.vector_store %arg5[%swap3A_477], %swap3A_480 {strides = array<i32>} : memref<16384xf32, #tpu.memory_space<vmem>>, vector<16xf32>,
        %mul3A_481 = arith.constant 1024 : i32
        %mul3A_482 = arith.muli %scan3A_63, %mul3A_481 : i32
        %add3A_483 = arith.constant 816 : i32
        %add3A_484 = arith.addi %mul3A_482, %add3A_483 : i32
        %swap3A_485 = arith.index_cast %add3A_484 : i32 to index
        %swap3A_486 = tpu.vector_load %arg5[%swap3A_485] {strides = array<i32>} : memref<16384xf32, #tpu.memory_space<vmem>>, vector<16xf32>,
        %swap3A_487 = vector.shape_cast %swap3A_486 : vector<16xf32> to vector<16xf32>
        %swap3A_488 = vector.shape_cast %get3A_73 : vector<16xf32> to vector<16xf32>
        tpu.vector_store %arg5[%swap3A_485], %swap3A_488 {strides = array<i32>} : memref<16384xf32, #tpu.memory_space<vmem>>, vector<16xf32>,
        %mul3A_489 = arith.constant 1024 : i32
        %mul3A_490 = arith.muli %scan3A_63, %mul3A_489 : i32
        %add3A_491 = arith.constant 832 : i32
        %add3A_492 = arith.addi %mul3A_490, %add3A_491 : i32
        %swap3A_493 = arith.index_cast %add3A_492 : i32 to index
        %swap3A_494 = tpu.vector_load %arg5[%swap3A_493] {strides = array<i32>} : memref<16384xf32, #tpu.memory_space<vmem>>, vector<16xf32>,
        %swap3A_495 = vector.shape_cast %swap3A_494 : vector<16xf32> to vector<16xf32>
        %swap3A_496 = vector.shape_cast %get3A_68 : vector<16xf32> to vector<16xf32>
        tpu.vector_store %arg5[%swap3A_493], %swap3A_496 {strides = array<i32>} : memref<16384xf32, #tpu.memory_space<vmem>>, vector<16xf32>,
        %mul3A_497 = arith.constant 1024 : i32
        %mul3A_498 = arith.muli %scan3A_63, %mul3A_497 : i32
        %add3A_499 = arith.constant 848 : i32
        %add3A_500 = arith.addi %mul3A_498, %add3A_499 : i32
        %swap3A_501 = arith.index_cast %add3A_500 : i32 to index
        %swap3A_502 = tpu.vector_load %arg5[%swap3A_501] {strides = array<i32>} : memref<16384xf32, #tpu.memory_space<vmem>>, vector<16xf32>,
        %swap3A_503 = vector.shape_cast %swap3A_502 : vector<16xf32> to vector<16xf32>
        %swap3A_504 = vector.shape_cast %get3A_73 : vector<16xf32> to vector<16xf32>
        tpu.vector_store %arg5[%swap3A_501], %swap3A_504 {strides = array<i32>} : memref<16384xf32, #tpu.memory_space<vmem>>, vector<16xf32>,
        %mul3A_505 = arith.constant 1024 : i32
        %mul3A_506 = arith.muli %scan3A_63, %mul3A_505 : i32
        %add3A_507 = arith.constant 864 : i32
        %add3A_508 = arith.addi %mul3A_506, %add3A_507 : i32
        %swap3A_509 = arith.index_cast %add3A_508 : i32 to index
        %swap3A_510 = tpu.vector_load %arg5[%swap3A_509] {strides = array<i32>} : memref<16384xf32, #tpu.memory_space<vmem>>, vector<16xf32>,
        %swap3A_511 = vector.shape_cast %swap3A_510 : vector<16xf32> to vector<16xf32>
        %swap3A_512 = vector.shape_cast %get3A_68 : vector<16xf32> to vector<16xf32>
        tpu.vector_store %arg5[%swap3A_509], %swap3A_512 {strides = array<i32>} : memref<16384xf32, #tpu.memory_space<vmem>>, vector<16xf32>,
        %mul3A_513 = arith.constant 1024 : i32
        %mul3A_514 = arith.muli %scan3A_63, %mul3A_513 : i32
        %add3A_515 = arith.constant 880 : i32
        %add3A_516 = arith.addi %mul3A_514, %add3A_515 : i32
        %swap3A_517 = arith.index_cast %add3A_516 : i32 to index
        %swap3A_518 = tpu.vector_load %arg5[%swap3A_517] {strides = array<i32>} : memref<16384xf32, #tpu.memory_space<vmem>>, vector<16xf32>,
        %swap3A_519 = vector.shape_cast %swap3A_518 : vector<16xf32> to vector<16xf32>
        %swap3A_520 = vector.shape_cast %get3A_73 : vector<16xf32> to vector<16xf32>
        tpu.vector_store %arg5[%swap3A_517], %swap3A_520 {strides = array<i32>} : memref<16384xf32, #tpu.memory_space<vmem>>, vector<16xf32>,
        %mul3A_521 = arith.constant 1024 : i32
        %mul3A_522 = arith.muli %scan3A_63, %mul3A_521 : i32
        %add3A_523 = arith.constant 896 : i32
        %add3A_524 = arith.addi %mul3A_522, %add3A_523 : i32
        %swap3A_525 = arith.index_cast %add3A_524 : i32 to index
        %swap3A_526 = tpu.vector_load %arg5[%swap3A_525] {strides = array<i32>} : memref<16384xf32, #tpu.memory_space<vmem>>, vector<16xf32>,
        %swap3A_527 = vector.shape_cast %swap3A_526 : vector<16xf32> to vector<16xf32>
        %swap3A_528 = vector.shape_cast %get3A_68 : vector<16xf32> to vector<16xf32>
        tpu.vector_store %arg5[%swap3A_525], %swap3A_528 {strides = array<i32>} : memref<16384xf32, #tpu.memory_space<vmem>>, vector<16xf32>,
        %mul3A_529 = arith.constant 1024 : i32
        %mul3A_530 = arith.muli %scan3A_63, %mul3A_529 : i32
        %add3A_531 = arith.constant 912 : i32
        %add3A_532 = arith.addi %mul3A_530, %add3A_531 : i32
        %swap3A_533 = arith.index_cast %add3A_532 : i32 to index
        %swap3A_534 = tpu.vector_load %arg5[%swap3A_533] {strides = array<i32>} : memref<16384xf32, #tpu.memory_space<vmem>>, vector<16xf32>,
        %swap3A_535 = vector.shape_cast %swap3A_534 : vector<16xf32> to vector<16xf32>
        %swap3A_536 = vector.shape_cast %get3A_73 : vector<16xf32> to vector<16xf32>
        tpu.vector_store %arg5[%swap3A_533], %swap3A_536 {strides = array<i32>} : memref<16384xf32, #tpu.memory_space<vmem>>, vector<16xf32>,
        %mul3A_537 = arith.constant 1024 : i32
        %mul3A_538 = arith.muli %scan3A_63, %mul3A_537 : i32
        %add3A_539 = arith.constant 928 : i32
        %add3A_540 = arith.addi %mul3A_538, %add3A_539 : i32
        %swap3A_541 = arith.index_cast %add3A_540 : i32 to index
        %swap3A_542 = tpu.vector_load %arg5[%swap3A_541] {strides = array<i32>} : memref<16384xf32, #tpu.memory_space<vmem>>, vector<16xf32>,
        %swap3A_543 = vector.shape_cast %swap3A_542 : vector<16xf32> to vector<16xf32>
        %swap3A_544 = vector.shape_cast %get3A_68 : vector<16xf32> to vector<16xf32>
        tpu.vector_store %arg5[%swap3A_541], %swap3A_544 {strides = array<i32>} : memref<16384xf32, #tpu.memory_space<vmem>>, vector<16xf32>,
        %mul3A_545 = arith.constant 1024 : i32
        %mul3A_546 = arith.muli %scan3A_63, %mul3A_545 : i32
        %add3A_547 = arith.constant 944 : i32
        %add3A_548 = arith.addi %mul3A_546, %add3A_547 : i32
        %swap3A_549 = arith.index_cast %add3A_548 : i32 to index
        %swap3A_550 = tpu.vector_load %arg5[%swap3A_549] {strides = array<i32>} : memref<16384xf32, #tpu.memory_space<vmem>>, vector<16xf32>,
        %swap3A_551 = vector.shape_cast %swap3A_550 : vector<16xf32> to vector<16xf32>
        %swap3A_552 = vector.shape_cast %get3A_73 : vector<16xf32> to vector<16xf32>
        tpu.vector_store %arg5[%swap3A_549], %swap3A_552 {strides = array<i32>} : memref<16384xf32, #tpu.memory_space<vmem>>, vector<16xf32>,
        %mul3A_553 = arith.constant 1024 : i32
        %mul3A_554 = arith.muli %scan3A_63, %mul3A_553 : i32
        %add3A_555 = arith.constant 960 : i32
        %add3A_556 = arith.addi %mul3A_554, %add3A_555 : i32
        %swap3A_557 = arith.index_cast %add3A_556 : i32 to index
        %swap3A_558 = tpu.vector_load %arg5[%swap3A_557] {strides = array<i32>} : memref<16384xf32, #tpu.memory_space<vmem>>, vector<16xf32>,
        %swap3A_559 = vector.shape_cast %swap3A_558 : vector<16xf32> to vector<16xf32>
        %swap3A_560 = vector.shape_cast %get3A_68 : vector<16xf32> to vector<16xf32>
        tpu.vector_store %arg5[%swap3A_557], %swap3A_560 {strides = array<i32>} : memref<16384xf32, #tpu.memory_space<vmem>>, vector<16xf32>,
        %mul3A_561 = arith.constant 1024 : i32
        %mul3A_562 = arith.muli %scan3A_63, %mul3A_561 : i32
        %add3A_563 = arith.constant 976 : i32
        %add3A_564 = arith.addi %mul3A_562, %add3A_563 : i32
        %swap3A_565 = arith.index_cast %add3A_564 : i32 to index
        %swap3A_566 = tpu.vector_load %arg5[%swap3A_565] {strides = array<i32>} : memref<16384xf32, #tpu.memory_space<vmem>>, vector<16xf32>,
        %swap3A_567 = vector.shape_cast %swap3A_566 : vector<16xf32> to vector<16xf32>
        %swap3A_568 = vector.shape_cast %get3A_73 : vector<16xf32> to vector<16xf32>
        tpu.vector_store %arg5[%swap3A_565], %swap3A_568 {strides = array<i32>} : memref<16384xf32, #tpu.memory_space<vmem>>, vector<16xf32>,
        %mul3A_569 = arith.constant 1024 : i32
        %mul3A_570 = arith.muli %scan3A_63, %mul3A_569 : i32
        %add3A_571 = arith.constant 992 : i32
        %add3A_572 = arith.addi %mul3A_570, %add3A_571 : i32
        %swap3A_573 = arith.index_cast %add3A_572 : i32 to index
        %swap3A_574 = tpu.vector_load %arg5[%swap3A_573] {strides = array<i32>} : memref<16384xf32, #tpu.memory_space<vmem>>, vector<16xf32>,
        %swap3A_575 = vector.shape_cast %swap3A_574 : vector<16xf32> to vector<16xf32>
        %swap3A_576 = vector.shape_cast %get3A_68 : vector<16xf32> to vector<16xf32>
        tpu.vector_store %arg5[%swap3A_573], %swap3A_576 {strides = array<i32>} : memref<16384xf32, #tpu.memory_space<vmem>>, vector<16xf32>,
        %mul3A_577 = arith.constant 1024 : i32
        %mul3A_578 = arith.muli %scan3A_63, %mul3A_577 : i32
        %add3A_579 = arith.constant 1008 : i32
        %add3A_580 = arith.addi %mul3A_578, %add3A_579 : i32
        %swap3A_581 = arith.index_cast %add3A_580 : i32 to index
        %swap3A_582 = tpu.vector_load %arg5[%swap3A_581] {strides = array<i32>} : memref<16384xf32, #tpu.memory_space<vmem>>, vector<16xf32>,
        %swap3A_583 = vector.shape_cast %swap3A_582 : vector<16xf32> to vector<16xf32>
        %swap3A_584 = vector.shape_cast %get3A_73 : vector<16xf32> to vector<16xf32>
        tpu.vector_store %arg5[%swap3A_581], %swap3A_584 {strides = array<i32>} : memref<16384xf32, #tpu.memory_space<vmem>>, vector<16xf32>,
      }
      %scan3A_62 = arith.constant 16 : i32
    } else {
    }
    %eq3A_5 = arith.constant 1 : i32
    %eq3A_6 = arith.cmpi eq, %arg0, %eq3A_5 : i32
    %convert_element_type3A_7 = arith.extui %eq3A_6 : i1 to i32
    %cond3A_8 = arith.constant 0 : i32
    %cond3A_9 = arith.cmpi ne, %convert_element_type3A_7, %cond3A_8 : i32
    scf.if %cond3A_9 {
      %scan3A = arith.constant 0 : i32
      %scan3A_58 = arith.constant 0 : i32
      %scan3A_59 = arith.constant 16 : i32
      %scan3A_60 = arith.addi %scan3A_58, %scan3A_59 : i32
      %scan3A_61 = arith.constant 1 : i32
      scf.for %scan3A_63 = %scan3A_58 to %scan3A_60 step %scan3A_61  : i32 {
        %add3A_64 = arith.addi %mul3A_2, %scan3A_63 : i32
        %mul3A_65 = arith.constant 32 : i32
        %mul3A_66 = arith.muli %add3A_64, %mul3A_65 : i32
        %add3A_67 = arith.constant 8192 : i32
        %add3A_68 = arith.addi %add3A_67, %mul3A_66 : i32
        %get3A = arith.index_cast %add3A_68 : i32 to index
        %get3A_69 = tpu.vector_load %arg4[%get3A] {strides = array<i32>} : memref<16384xf32, #tpu.memory_space<vmem>>, vector<16xf32>,
        %get3A_70 = vector.shape_cast %get3A_69 : vector<16xf32> to vector<16xf32>
        %add3A_71 = arith.constant 16 : i32
        %add3A_72 = arith.addi %add3A_68, %add3A_71 : i32
        %get3A_73 = arith.index_cast %add3A_72 : i32 to index
        %get3A_74 = tpu.vector_load %arg4[%get3A_73] {strides = array<i32>} : memref<16384xf32, #tpu.memory_space<vmem>>, vector<16xf32>,
        %get3A_75 = vector.shape_cast %get3A_74 : vector<16xf32> to vector<16xf32>
        %broadcast_in_dim3A = arith.constant 0 : i32
        %broadcast_in_dim3A_76 = vector.broadcast %broadcast_in_dim3A : i32 to vector<16xi32>
        %add3A_77 = arith.constant 0 : i32
        %add3A_78 = vector.broadcast %add3A_77 : i32 to vector<16xi32>
        %add3A_79 = arith.addi %broadcast_in_dim3A_76, %add3A_78 : vector<16xi32>
        %broadcast_in_dim3A_80 = vector.shape_cast %add3A_79 : vector<16xi32> to vector<16x1xi32>
        %gather3A = vector.shape_cast %broadcast_in_dim3A_80 : vector<16x1xi32> to vector<16xi32>
        %gather3A_81 = tpu.dynamic_gather %get3A_70[%gather3A] in [0] : vector<16xf32>, vector<16xi32> -> vector<16xf32>
        %mul3A_82 = arith.constant 1024 : i32
        %mul3A_83 = arith.muli %scan3A_63, %mul3A_82 : i32
        %add3A_84 = arith.constant 0 : i32
        %add3A_85 = arith.addi %mul3A_83, %add3A_84 : i32
        %swap3A = arith.index_cast %add3A_85 : i32 to index
        %swap3A_86 = tpu.vector_load %arg5[%swap3A] {strides = array<i32>} : memref<16384xf32, #tpu.memory_space<vmem>>, vector<16xf32>,
        %swap3A_87 = vector.shape_cast %swap3A_86 : vector<16xf32> to vector<16xf32>
        %swap3A_88 = vector.shape_cast %gather3A_81 : vector<16xf32> to vector<16xf32>
        tpu.vector_store %arg5[%swap3A], %swap3A_88 {strides = array<i32>} : memref<16384xf32, #tpu.memory_space<vmem>>, vector<16xf32>,
        %broadcast_in_dim3A_89 = arith.constant 0 : i32
        %broadcast_in_dim3A_90 = vector.broadcast %broadcast_in_dim3A_89 : i32 to vector<16xi32>
        %add3A_91 = arith.constant 0 : i32
        %add3A_92 = vector.broadcast %add3A_91 : i32 to vector<16xi32>
        %add3A_93 = arith.addi %broadcast_in_dim3A_90, %add3A_92 : vector<16xi32>
        %broadcast_in_dim3A_94 = vector.shape_cast %add3A_93 : vector<16xi32> to vector<16x1xi32>
        %gather3A_95 = vector.shape_cast %broadcast_in_dim3A_94 : vector<16x1xi32> to vector<16xi32>
        %gather3A_96 = tpu.dynamic_gather %get3A_70[%gather3A_95] in [0] : vector<16xf32>, vector<16xi32> -> vector<16xf32>
        %mul3A_97 = arith.constant 1024 : i32
        %mul3A_98 = arith.muli %scan3A_63, %mul3A_97 : i32
        %add3A_99 = arith.constant 16 : i32
        %add3A_100 = arith.addi %mul3A_98, %add3A_99 : i32
        %swap3A_101 = arith.index_cast %add3A_100 : i32 to index
        %swap3A_102 = tpu.vector_load %arg5[%swap3A_101] {strides = array<i32>} : memref<16384xf32, #tpu.memory_space<vmem>>, vector<16xf32>,
        %swap3A_103 = vector.shape_cast %swap3A_102 : vector<16xf32> to vector<16xf32>
        %swap3A_104 = vector.shape_cast %gather3A_96 : vector<16xf32> to vector<16xf32>
        tpu.vector_store %arg5[%swap3A_101], %swap3A_104 {strides = array<i32>} : memref<16384xf32, #tpu.memory_space<vmem>>, vector<16xf32>,
        %broadcast_in_dim3A_105 = arith.constant 0 : i32
        %broadcast_in_dim3A_106 = vector.broadcast %broadcast_in_dim3A_105 : i32 to vector<16xi32>
        %add3A_107 = arith.constant 1 : i32
        %add3A_108 = vector.broadcast %add3A_107 : i32 to vector<16xi32>
        %add3A_109 = arith.addi %broadcast_in_dim3A_106, %add3A_108 : vector<16xi32>
        %broadcast_in_dim3A_110 = vector.shape_cast %add3A_109 : vector<16xi32> to vector<16x1xi32>
        %gather3A_111 = vector.shape_cast %broadcast_in_dim3A_110 : vector<16x1xi32> to vector<16xi32>
        %gather3A_112 = tpu.dynamic_gather %get3A_70[%gather3A_111] in [0] : vector<16xf32>, vector<16xi32> -> vector<16xf32>
        %mul3A_113 = arith.constant 1024 : i32
        %mul3A_114 = arith.muli %scan3A_63, %mul3A_113 : i32
        %add3A_115 = arith.constant 32 : i32
        %add3A_116 = arith.addi %mul3A_114, %add3A_115 : i32
        %swap3A_117 = arith.index_cast %add3A_116 : i32 to index
        %swap3A_118 = tpu.vector_load %arg5[%swap3A_117] {strides = array<i32>} : memref<16384xf32, #tpu.memory_space<vmem>>, vector<16xf32>,
        %swap3A_119 = vector.shape_cast %swap3A_118 : vector<16xf32> to vector<16xf32>
        %swap3A_120 = vector.shape_cast %gather3A_112 : vector<16xf32> to vector<16xf32>
        tpu.vector_store %arg5[%swap3A_117], %swap3A_120 {strides = array<i32>} : memref<16384xf32, #tpu.memory_space<vmem>>, vector<16xf32>,
        %broadcast_in_dim3A_121 = arith.constant 0 : i32
        %broadcast_in_dim3A_122 = vector.broadcast %broadcast_in_dim3A_121 : i32 to vector<16xi32>
        %add3A_123 = arith.constant 1 : i32
        %add3A_124 = vector.broadcast %add3A_123 : i32 to vector<16xi32>
        %add3A_125 = arith.addi %broadcast_in_dim3A_122, %add3A_124 : vector<16xi32>
        %broadcast_in_dim3A_126 = vector.shape_cast %add3A_125 : vector<16xi32> to vector<16x1xi32>
        %gather3A_127 = vector.shape_cast %broadcast_in_dim3A_126 : vector<16x1xi32> to vector<16xi32>
        %gather3A_128 = tpu.dynamic_gather %get3A_70[%gather3A_127] in [0] : vector<16xf32>, vector<16xi32> -> vector<16xf32>
        %mul3A_129 = arith.constant 1024 : i32
        %mul3A_130 = arith.muli %scan3A_63, %mul3A_129 : i32
        %add3A_131 = arith.constant 48 : i32
        %add3A_132 = arith.addi %mul3A_130, %add3A_131 : i32
        %swap3A_133 = arith.index_cast %add3A_132 : i32 to index
        %swap3A_134 = tpu.vector_load %arg5[%swap3A_133] {strides = array<i32>} : memref<16384xf32, #tpu.memory_space<vmem>>, vector<16xf32>,
        %swap3A_135 = vector.shape_cast %swap3A_134 : vector<16xf32> to vector<16xf32>
        %swap3A_136 = vector.shape_cast %gather3A_128 : vector<16xf32> to vector<16xf32>
        tpu.vector_store %arg5[%swap3A_133], %swap3A_136 {strides = array<i32>} : memref<16384xf32, #tpu.memory_space<vmem>>, vector<16xf32>,
        %broadcast_in_dim3A_137 = arith.constant 0 : i32
        %broadcast_in_dim3A_138 = vector.broadcast %broadcast_in_dim3A_137 : i32 to vector<16xi32>
        %add3A_139 = arith.constant 2 : i32
        %add3A_140 = vector.broadcast %add3A_139 : i32 to vector<16xi32>
        %add3A_141 = arith.addi %broadcast_in_dim3A_138, %add3A_140 : vector<16xi32>
        %broadcast_in_dim3A_142 = vector.shape_cast %add3A_141 : vector<16xi32> to vector<16x1xi32>
        %gather3A_143 = vector.shape_cast %broadcast_in_dim3A_142 : vector<16x1xi32> to vector<16xi32>
        %gather3A_144 = tpu.dynamic_gather %get3A_70[%gather3A_143] in [0] : vector<16xf32>, vector<16xi32> -> vector<16xf32>
        %mul3A_145 = arith.constant 1024 : i32
        %mul3A_146 = arith.muli %scan3A_63, %mul3A_145 : i32
        %add3A_147 = arith.constant 64 : i32
        %add3A_148 = arith.addi %mul3A_146, %add3A_147 : i32
        %swap3A_149 = arith.index_cast %add3A_148 : i32 to index
        %swap3A_150 = tpu.vector_load %arg5[%swap3A_149] {strides = array<i32>} : memref<16384xf32, #tpu.memory_space<vmem>>, vector<16xf32>,
        %swap3A_151 = vector.shape_cast %swap3A_150 : vector<16xf32> to vector<16xf32>
        %swap3A_152 = vector.shape_cast %gather3A_144 : vector<16xf32> to vector<16xf32>
        tpu.vector_store %arg5[%swap3A_149], %swap3A_152 {strides = array<i32>} : memref<16384xf32, #tpu.memory_space<vmem>>, vector<16xf32>,
        %broadcast_in_dim3A_153 = arith.constant 0 : i32
        %broadcast_in_dim3A_154 = vector.broadcast %broadcast_in_dim3A_153 : i32 to vector<16xi32>
        %add3A_155 = arith.constant 2 : i32
        %add3A_156 = vector.broadcast %add3A_155 : i32 to vector<16xi32>
        %add3A_157 = arith.addi %broadcast_in_dim3A_154, %add3A_156 : vector<16xi32>
        %broadcast_in_dim3A_158 = vector.shape_cast %add3A_157 : vector<16xi32> to vector<16x1xi32>
        %gather3A_159 = vector.shape_cast %broadcast_in_dim3A_158 : vector<16x1xi32> to vector<16xi32>
        %gather3A_160 = tpu.dynamic_gather %get3A_70[%gather3A_159] in [0] : vector<16xf32>, vector<16xi32> -> vector<16xf32>
        %mul3A_161 = arith.constant 1024 : i32
        %mul3A_162 = arith.muli %scan3A_63, %mul3A_161 : i32
        %add3A_163 = arith.constant 80 : i32
        %add3A_164 = arith.addi %mul3A_162, %add3A_163 : i32
        %swap3A_165 = arith.index_cast %add3A_164 : i32 to index
        %swap3A_166 = tpu.vector_load %arg5[%swap3A_165] {strides = array<i32>} : memref<16384xf32, #tpu.memory_space<vmem>>, vector<16xf32>,
        %swap3A_167 = vector.shape_cast %swap3A_166 : vector<16xf32> to vector<16xf32>
        %swap3A_168 = vector.shape_cast %gather3A_160 : vector<16xf32> to vector<16xf32>
        tpu.vector_store %arg5[%swap3A_165], %swap3A_168 {strides = array<i32>} : memref<16384xf32, #tpu.memory_space<vmem>>, vector<16xf32>,
        %broadcast_in_dim3A_169 = arith.constant 0 : i32
        %broadcast_in_dim3A_170 = vector.broadcast %broadcast_in_dim3A_169 : i32 to vector<16xi32>
        %add3A_171 = arith.constant 3 : i32
        %add3A_172 = vector.broadcast %add3A_171 : i32 to vector<16xi32>
        %add3A_173 = arith.addi %broadcast_in_dim3A_170, %add3A_172 : vector<16xi32>
        %broadcast_in_dim3A_174 = vector.shape_cast %add3A_173 : vector<16xi32> to vector<16x1xi32>
        %gather3A_175 = vector.shape_cast %broadcast_in_dim3A_174 : vector<16x1xi32> to vector<16xi32>
        %gather3A_176 = tpu.dynamic_gather %get3A_70[%gather3A_175] in [0] : vector<16xf32>, vector<16xi32> -> vector<16xf32>
        %mul3A_177 = arith.constant 1024 : i32
        %mul3A_178 = arith.muli %scan3A_63, %mul3A_177 : i32
        %add3A_179 = arith.constant 96 : i32
        %add3A_180 = arith.addi %mul3A_178, %add3A_179 : i32
        %swap3A_181 = arith.index_cast %add3A_180 : i32 to index
        %swap3A_182 = tpu.vector_load %arg5[%swap3A_181] {strides = array<i32>} : memref<16384xf32, #tpu.memory_space<vmem>>, vector<16xf32>,
        %swap3A_183 = vector.shape_cast %swap3A_182 : vector<16xf32> to vector<16xf32>
        %swap3A_184 = vector.shape_cast %gather3A_176 : vector<16xf32> to vector<16xf32>
        tpu.vector_store %arg5[%swap3A_181], %swap3A_184 {strides = array<i32>} : memref<16384xf32, #tpu.memory_space<vmem>>, vector<16xf32>,
        %broadcast_in_dim3A_185 = arith.constant 0 : i32
        %broadcast_in_dim3A_186 = vector.broadcast %broadcast_in_dim3A_185 : i32 to vector<16xi32>
        %add3A_187 = arith.constant 3 : i32
        %add3A_188 = vector.broadcast %add3A_187 : i32 to vector<16xi32>
        %add3A_189 = arith.addi %broadcast_in_dim3A_186, %add3A_188 : vector<16xi32>
        %broadcast_in_dim3A_190 = vector.shape_cast %add3A_189 : vector<16xi32> to vector<16x1xi32>
        %gather3A_191 = vector.shape_cast %broadcast_in_dim3A_190 : vector<16x1xi32> to vector<16xi32>
        %gather3A_192 = tpu.dynamic_gather %get3A_70[%gather3A_191] in [0] : vector<16xf32>, vector<16xi32> -> vector<16xf32>
        %mul3A_193 = arith.constant 1024 : i32
        %mul3A_194 = arith.muli %scan3A_63, %mul3A_193 : i32
        %add3A_195 = arith.constant 112 : i32
        %add3A_196 = arith.addi %mul3A_194, %add3A_195 : i32
        %swap3A_197 = arith.index_cast %add3A_196 : i32 to index
        %swap3A_198 = tpu.vector_load %arg5[%swap3A_197] {strides = array<i32>} : memref<16384xf32, #tpu.memory_space<vmem>>, vector<16xf32>,
        %swap3A_199 = vector.shape_cast %swap3A_198 : vector<16xf32> to vector<16xf32>
        %swap3A_200 = vector.shape_cast %gather3A_192 : vector<16xf32> to vector<16xf32>
        tpu.vector_store %arg5[%swap3A_197], %swap3A_200 {strides = array<i32>} : memref<16384xf32, #tpu.memory_space<vmem>>, vector<16xf32>,
        %broadcast_in_dim3A_201 = arith.constant 0 : i32
        %broadcast_in_dim3A_202 = vector.broadcast %broadcast_in_dim3A_201 : i32 to vector<16xi32>
        %add3A_203 = arith.constant 4 : i32
        %add3A_204 = vector.broadcast %add3A_203 : i32 to vector<16xi32>
        %add3A_205 = arith.addi %broadcast_in_dim3A_202, %add3A_204 : vector<16xi32>
        %broadcast_in_dim3A_206 = vector.shape_cast %add3A_205 : vector<16xi32> to vector<16x1xi32>
        %gather3A_207 = vector.shape_cast %broadcast_in_dim3A_206 : vector<16x1xi32> to vector<16xi32>
        %gather3A_208 = tpu.dynamic_gather %get3A_70[%gather3A_207] in [0] : vector<16xf32>, vector<16xi32> -> vector<16xf32>
        %mul3A_209 = arith.constant 1024 : i32
        %mul3A_210 = arith.muli %scan3A_63, %mul3A_209 : i32
        %add3A_211 = arith.constant 128 : i32
        %add3A_212 = arith.addi %mul3A_210, %add3A_211 : i32
        %swap3A_213 = arith.index_cast %add3A_212 : i32 to index
        %swap3A_214 = tpu.vector_load %arg5[%swap3A_213] {strides = array<i32>} : memref<16384xf32, #tpu.memory_space<vmem>>, vector<16xf32>,
        %swap3A_215 = vector.shape_cast %swap3A_214 : vector<16xf32> to vector<16xf32>
        %swap3A_216 = vector.shape_cast %gather3A_208 : vector<16xf32> to vector<16xf32>
        tpu.vector_store %arg5[%swap3A_213], %swap3A_216 {strides = array<i32>} : memref<16384xf32, #tpu.memory_space<vmem>>, vector<16xf32>,
        %broadcast_in_dim3A_217 = arith.constant 0 : i32
        %broadcast_in_dim3A_218 = vector.broadcast %broadcast_in_dim3A_217 : i32 to vector<16xi32>
        %add3A_219 = arith.constant 4 : i32
        %add3A_220 = vector.broadcast %add3A_219 : i32 to vector<16xi32>
        %add3A_221 = arith.addi %broadcast_in_dim3A_218, %add3A_220 : vector<16xi32>
        %broadcast_in_dim3A_222 = vector.shape_cast %add3A_221 : vector<16xi32> to vector<16x1xi32>
        %gather3A_223 = vector.shape_cast %broadcast_in_dim3A_222 : vector<16x1xi32> to vector<16xi32>
        %gather3A_224 = tpu.dynamic_gather %get3A_70[%gather3A_223] in [0] : vector<16xf32>, vector<16xi32> -> vector<16xf32>
        %mul3A_225 = arith.constant 1024 : i32
        %mul3A_226 = arith.muli %scan3A_63, %mul3A_225 : i32
        %add3A_227 = arith.constant 144 : i32
        %add3A_228 = arith.addi %mul3A_226, %add3A_227 : i32
        %swap3A_229 = arith.index_cast %add3A_228 : i32 to index
        %swap3A_230 = tpu.vector_load %arg5[%swap3A_229] {strides = array<i32>} : memref<16384xf32, #tpu.memory_space<vmem>>, vector<16xf32>,
        %swap3A_231 = vector.shape_cast %swap3A_230 : vector<16xf32> to vector<16xf32>
        %swap3A_232 = vector.shape_cast %gather3A_224 : vector<16xf32> to vector<16xf32>
        tpu.vector_store %arg5[%swap3A_229], %swap3A_232 {strides = array<i32>} : memref<16384xf32, #tpu.memory_space<vmem>>, vector<16xf32>,
        %broadcast_in_dim3A_233 = arith.constant 0 : i32
        %broadcast_in_dim3A_234 = vector.broadcast %broadcast_in_dim3A_233 : i32 to vector<16xi32>
        %add3A_235 = arith.constant 5 : i32
        %add3A_236 = vector.broadcast %add3A_235 : i32 to vector<16xi32>
        %add3A_237 = arith.addi %broadcast_in_dim3A_234, %add3A_236 : vector<16xi32>
        %broadcast_in_dim3A_238 = vector.shape_cast %add3A_237 : vector<16xi32> to vector<16x1xi32>
        %gather3A_239 = vector.shape_cast %broadcast_in_dim3A_238 : vector<16x1xi32> to vector<16xi32>
        %gather3A_240 = tpu.dynamic_gather %get3A_70[%gather3A_239] in [0] : vector<16xf32>, vector<16xi32> -> vector<16xf32>
        %mul3A_241 = arith.constant 1024 : i32
        %mul3A_242 = arith.muli %scan3A_63, %mul3A_241 : i32
        %add3A_243 = arith.constant 160 : i32
        %add3A_244 = arith.addi %mul3A_242, %add3A_243 : i32
        %swap3A_245 = arith.index_cast %add3A_244 : i32 to index
        %swap3A_246 = tpu.vector_load %arg5[%swap3A_245] {strides = array<i32>} : memref<16384xf32, #tpu.memory_space<vmem>>, vector<16xf32>,
        %swap3A_247 = vector.shape_cast %swap3A_246 : vector<16xf32> to vector<16xf32>
        %swap3A_248 = vector.shape_cast %gather3A_240 : vector<16xf32> to vector<16xf32>
        tpu.vector_store %arg5[%swap3A_245], %swap3A_248 {strides = array<i32>} : memref<16384xf32, #tpu.memory_space<vmem>>, vector<16xf32>,
        %broadcast_in_dim3A_249 = arith.constant 0 : i32
        %broadcast_in_dim3A_250 = vector.broadcast %broadcast_in_dim3A_249 : i32 to vector<16xi32>
        %add3A_251 = arith.constant 5 : i32
        %add3A_252 = vector.broadcast %add3A_251 : i32 to vector<16xi32>
        %add3A_253 = arith.addi %broadcast_in_dim3A_250, %add3A_252 : vector<16xi32>
        %broadcast_in_dim3A_254 = vector.shape_cast %add3A_253 : vector<16xi32> to vector<16x1xi32>
        %gather3A_255 = vector.shape_cast %broadcast_in_dim3A_254 : vector<16x1xi32> to vector<16xi32>
        %gather3A_256 = tpu.dynamic_gather %get3A_70[%gather3A_255] in [0] : vector<16xf32>, vector<16xi32> -> vector<16xf32>
        %mul3A_257 = arith.constant 1024 : i32
        %mul3A_258 = arith.muli %scan3A_63, %mul3A_257 : i32
        %add3A_259 = arith.constant 176 : i32
        %add3A_260 = arith.addi %mul3A_258, %add3A_259 : i32
        %swap3A_261 = arith.index_cast %add3A_260 : i32 to index
        %swap3A_262 = tpu.vector_load %arg5[%swap3A_261] {strides = array<i32>} : memref<16384xf32, #tpu.memory_space<vmem>>, vector<16xf32>,
        %swap3A_263 = vector.shape_cast %swap3A_262 : vector<16xf32> to vector<16xf32>
        %swap3A_264 = vector.shape_cast %gather3A_256 : vector<16xf32> to vector<16xf32>
        tpu.vector_store %arg5[%swap3A_261], %swap3A_264 {strides = array<i32>} : memref<16384xf32, #tpu.memory_space<vmem>>, vector<16xf32>,
        %broadcast_in_dim3A_265 = arith.constant 0 : i32
        %broadcast_in_dim3A_266 = vector.broadcast %broadcast_in_dim3A_265 : i32 to vector<16xi32>
        %add3A_267 = arith.constant 6 : i32
        %add3A_268 = vector.broadcast %add3A_267 : i32 to vector<16xi32>
        %add3A_269 = arith.addi %broadcast_in_dim3A_266, %add3A_268 : vector<16xi32>
        %broadcast_in_dim3A_270 = vector.shape_cast %add3A_269 : vector<16xi32> to vector<16x1xi32>
        %gather3A_271 = vector.shape_cast %broadcast_in_dim3A_270 : vector<16x1xi32> to vector<16xi32>
        %gather3A_272 = tpu.dynamic_gather %get3A_70[%gather3A_271] in [0] : vector<16xf32>, vector<16xi32> -> vector<16xf32>
        %mul3A_273 = arith.constant 1024 : i32
        %mul3A_274 = arith.muli %scan3A_63, %mul3A_273 : i32
        %add3A_275 = arith.constant 192 : i32
        %add3A_276 = arith.addi %mul3A_274, %add3A_275 : i32
        %swap3A_277 = arith.index_cast %add3A_276 : i32 to index
        %swap3A_278 = tpu.vector_load %arg5[%swap3A_277] {strides = array<i32>} : memref<16384xf32, #tpu.memory_space<vmem>>, vector<16xf32>,
        %swap3A_279 = vector.shape_cast %swap3A_278 : vector<16xf32> to vector<16xf32>
        %swap3A_280 = vector.shape_cast %gather3A_272 : vector<16xf32> to vector<16xf32>
        tpu.vector_store %arg5[%swap3A_277], %swap3A_280 {strides = array<i32>} : memref<16384xf32, #tpu.memory_space<vmem>>, vector<16xf32>,
        %broadcast_in_dim3A_281 = arith.constant 0 : i32
        %broadcast_in_dim3A_282 = vector.broadcast %broadcast_in_dim3A_281 : i32 to vector<16xi32>
        %add3A_283 = arith.constant 6 : i32
        %add3A_284 = vector.broadcast %add3A_283 : i32 to vector<16xi32>
        %add3A_285 = arith.addi %broadcast_in_dim3A_282, %add3A_284 : vector<16xi32>
        %broadcast_in_dim3A_286 = vector.shape_cast %add3A_285 : vector<16xi32> to vector<16x1xi32>
        %gather3A_287 = vector.shape_cast %broadcast_in_dim3A_286 : vector<16x1xi32> to vector<16xi32>
        %gather3A_288 = tpu.dynamic_gather %get3A_70[%gather3A_287] in [0] : vector<16xf32>, vector<16xi32> -> vector<16xf32>
        %mul3A_289 = arith.constant 1024 : i32
        %mul3A_290 = arith.muli %scan3A_63, %mul3A_289 : i32
        %add3A_291 = arith.constant 208 : i32
        %add3A_292 = arith.addi %mul3A_290, %add3A_291 : i32
        %swap3A_293 = arith.index_cast %add3A_292 : i32 to index
        %swap3A_294 = tpu.vector_load %arg5[%swap3A_293] {strides = array<i32>} : memref<16384xf32, #tpu.memory_space<vmem>>, vector<16xf32>,
        %swap3A_295 = vector.shape_cast %swap3A_294 : vector<16xf32> to vector<16xf32>
        %swap3A_296 = vector.shape_cast %gather3A_288 : vector<16xf32> to vector<16xf32>
        tpu.vector_store %arg5[%swap3A_293], %swap3A_296 {strides = array<i32>} : memref<16384xf32, #tpu.memory_space<vmem>>, vector<16xf32>,
        %broadcast_in_dim3A_297 = arith.constant 0 : i32
        %broadcast_in_dim3A_298 = vector.broadcast %broadcast_in_dim3A_297 : i32 to vector<16xi32>
        %add3A_299 = arith.constant 7 : i32
        %add3A_300 = vector.broadcast %add3A_299 : i32 to vector<16xi32>
        %add3A_301 = arith.addi %broadcast_in_dim3A_298, %add3A_300 : vector<16xi32>
        %broadcast_in_dim3A_302 = vector.shape_cast %add3A_301 : vector<16xi32> to vector<16x1xi32>
        %gather3A_303 = vector.shape_cast %broadcast_in_dim3A_302 : vector<16x1xi32> to vector<16xi32>
        %gather3A_304 = tpu.dynamic_gather %get3A_70[%gather3A_303] in [0] : vector<16xf32>, vector<16xi32> -> vector<16xf32>
        %mul3A_305 = arith.constant 1024 : i32
        %mul3A_306 = arith.muli %scan3A_63, %mul3A_305 : i32
        %add3A_307 = arith.constant 224 : i32
        %add3A_308 = arith.addi %mul3A_306, %add3A_307 : i32
        %swap3A_309 = arith.index_cast %add3A_308 : i32 to index
        %swap3A_310 = tpu.vector_load %arg5[%swap3A_309] {strides = array<i32>} : memref<16384xf32, #tpu.memory_space<vmem>>, vector<16xf32>,
        %swap3A_311 = vector.shape_cast %swap3A_310 : vector<16xf32> to vector<16xf32>
        %swap3A_312 = vector.shape_cast %gather3A_304 : vector<16xf32> to vector<16xf32>
        tpu.vector_store %arg5[%swap3A_309], %swap3A_312 {strides = array<i32>} : memref<16384xf32, #tpu.memory_space<vmem>>, vector<16xf32>,
        %broadcast_in_dim3A_313 = arith.constant 0 : i32
        %broadcast_in_dim3A_314 = vector.broadcast %broadcast_in_dim3A_313 : i32 to vector<16xi32>
        %add3A_315 = arith.constant 7 : i32
        %add3A_316 = vector.broadcast %add3A_315 : i32 to vector<16xi32>
        %add3A_317 = arith.addi %broadcast_in_dim3A_314, %add3A_316 : vector<16xi32>
        %broadcast_in_dim3A_318 = vector.shape_cast %add3A_317 : vector<16xi32> to vector<16x1xi32>
        %gather3A_319 = vector.shape_cast %broadcast_in_dim3A_318 : vector<16x1xi32> to vector<16xi32>
        %gather3A_320 = tpu.dynamic_gather %get3A_70[%gather3A_319] in [0] : vector<16xf32>, vector<16xi32> -> vector<16xf32>
        %mul3A_321 = arith.constant 1024 : i32
        %mul3A_322 = arith.muli %scan3A_63, %mul3A_321 : i32
        %add3A_323 = arith.constant 240 : i32
        %add3A_324 = arith.addi %mul3A_322, %add3A_323 : i32
        %swap3A_325 = arith.index_cast %add3A_324 : i32 to index
        %swap3A_326 = tpu.vector_load %arg5[%swap3A_325] {strides = array<i32>} : memref<16384xf32, #tpu.memory_space<vmem>>, vector<16xf32>,
        %swap3A_327 = vector.shape_cast %swap3A_326 : vector<16xf32> to vector<16xf32>
        %swap3A_328 = vector.shape_cast %gather3A_320 : vector<16xf32> to vector<16xf32>
        tpu.vector_store %arg5[%swap3A_325], %swap3A_328 {strides = array<i32>} : memref<16384xf32, #tpu.memory_space<vmem>>, vector<16xf32>,
        %broadcast_in_dim3A_329 = arith.constant 0 : i32
        %broadcast_in_dim3A_330 = vector.broadcast %broadcast_in_dim3A_329 : i32 to vector<16xi32>
        %add3A_331 = arith.constant 8 : i32
        %add3A_332 = vector.broadcast %add3A_331 : i32 to vector<16xi32>
        %add3A_333 = arith.addi %broadcast_in_dim3A_330, %add3A_332 : vector<16xi32>
        %broadcast_in_dim3A_334 = vector.shape_cast %add3A_333 : vector<16xi32> to vector<16x1xi32>
        %gather3A_335 = vector.shape_cast %broadcast_in_dim3A_334 : vector<16x1xi32> to vector<16xi32>
        %gather3A_336 = tpu.dynamic_gather %get3A_70[%gather3A_335] in [0] : vector<16xf32>, vector<16xi32> -> vector<16xf32>
        %mul3A_337 = arith.constant 1024 : i32
        %mul3A_338 = arith.muli %scan3A_63, %mul3A_337 : i32
        %add3A_339 = arith.constant 256 : i32
        %add3A_340 = arith.addi %mul3A_338, %add3A_339 : i32
        %swap3A_341 = arith.index_cast %add3A_340 : i32 to index
        %swap3A_342 = tpu.vector_load %arg5[%swap3A_341] {strides = array<i32>} : memref<16384xf32, #tpu.memory_space<vmem>>, vector<16xf32>,
        %swap3A_343 = vector.shape_cast %swap3A_342 : vector<16xf32> to vector<16xf32>
        %swap3A_344 = vector.shape_cast %gather3A_336 : vector<16xf32> to vector<16xf32>
        tpu.vector_store %arg5[%swap3A_341], %swap3A_344 {strides = array<i32>} : memref<16384xf32, #tpu.memory_space<vmem>>, vector<16xf32>,
        %broadcast_in_dim3A_345 = arith.constant 0 : i32
        %broadcast_in_dim3A_346 = vector.broadcast %broadcast_in_dim3A_345 : i32 to vector<16xi32>
        %add3A_347 = arith.constant 8 : i32
        %add3A_348 = vector.broadcast %add3A_347 : i32 to vector<16xi32>
        %add3A_349 = arith.addi %broadcast_in_dim3A_346, %add3A_348 : vector<16xi32>
        %broadcast_in_dim3A_350 = vector.shape_cast %add3A_349 : vector<16xi32> to vector<16x1xi32>
        %gather3A_351 = vector.shape_cast %broadcast_in_dim3A_350 : vector<16x1xi32> to vector<16xi32>
        %gather3A_352 = tpu.dynamic_gather %get3A_70[%gather3A_351] in [0] : vector<16xf32>, vector<16xi32> -> vector<16xf32>
        %mul3A_353 = arith.constant 1024 : i32
        %mul3A_354 = arith.muli %scan3A_63, %mul3A_353 : i32
        %add3A_355 = arith.constant 272 : i32
        %add3A_356 = arith.addi %mul3A_354, %add3A_355 : i32
        %swap3A_357 = arith.index_cast %add3A_356 : i32 to index
        %swap3A_358 = tpu.vector_load %arg5[%swap3A_357] {strides = array<i32>} : memref<16384xf32, #tpu.memory_space<vmem>>, vector<16xf32>,
        %swap3A_359 = vector.shape_cast %swap3A_358 : vector<16xf32> to vector<16xf32>
        %swap3A_360 = vector.shape_cast %gather3A_352 : vector<16xf32> to vector<16xf32>
        tpu.vector_store %arg5[%swap3A_357], %swap3A_360 {strides = array<i32>} : memref<16384xf32, #tpu.memory_space<vmem>>, vector<16xf32>,
        %broadcast_in_dim3A_361 = arith.constant 0 : i32
        %broadcast_in_dim3A_362 = vector.broadcast %broadcast_in_dim3A_361 : i32 to vector<16xi32>
        %add3A_363 = arith.constant 9 : i32
        %add3A_364 = vector.broadcast %add3A_363 : i32 to vector<16xi32>
        %add3A_365 = arith.addi %broadcast_in_dim3A_362, %add3A_364 : vector<16xi32>
        %broadcast_in_dim3A_366 = vector.shape_cast %add3A_365 : vector<16xi32> to vector<16x1xi32>
        %gather3A_367 = vector.shape_cast %broadcast_in_dim3A_366 : vector<16x1xi32> to vector<16xi32>
        %gather3A_368 = tpu.dynamic_gather %get3A_70[%gather3A_367] in [0] : vector<16xf32>, vector<16xi32> -> vector<16xf32>
        %mul3A_369 = arith.constant 1024 : i32
        %mul3A_370 = arith.muli %scan3A_63, %mul3A_369 : i32
        %add3A_371 = arith.constant 288 : i32
        %add3A_372 = arith.addi %mul3A_370, %add3A_371 : i32
        %swap3A_373 = arith.index_cast %add3A_372 : i32 to index
        %swap3A_374 = tpu.vector_load %arg5[%swap3A_373] {strides = array<i32>} : memref<16384xf32, #tpu.memory_space<vmem>>, vector<16xf32>,
        %swap3A_375 = vector.shape_cast %swap3A_374 : vector<16xf32> to vector<16xf32>
        %swap3A_376 = vector.shape_cast %gather3A_368 : vector<16xf32> to vector<16xf32>
        tpu.vector_store %arg5[%swap3A_373], %swap3A_376 {strides = array<i32>} : memref<16384xf32, #tpu.memory_space<vmem>>, vector<16xf32>,
        %broadcast_in_dim3A_377 = arith.constant 0 : i32
        %broadcast_in_dim3A_378 = vector.broadcast %broadcast_in_dim3A_377 : i32 to vector<16xi32>
        %add3A_379 = arith.constant 9 : i32
        %add3A_380 = vector.broadcast %add3A_379 : i32 to vector<16xi32>
        %add3A_381 = arith.addi %broadcast_in_dim3A_378, %add3A_380 : vector<16xi32>
        %broadcast_in_dim3A_382 = vector.shape_cast %add3A_381 : vector<16xi32> to vector<16x1xi32>
        %gather3A_383 = vector.shape_cast %broadcast_in_dim3A_382 : vector<16x1xi32> to vector<16xi32>
        %gather3A_384 = tpu.dynamic_gather %get3A_70[%gather3A_383] in [0] : vector<16xf32>, vector<16xi32> -> vector<16xf32>
        %mul3A_385 = arith.constant 1024 : i32
        %mul3A_386 = arith.muli %scan3A_63, %mul3A_385 : i32
        %add3A_387 = arith.constant 304 : i32
        %add3A_388 = arith.addi %mul3A_386, %add3A_387 : i32
        %swap3A_389 = arith.index_cast %add3A_388 : i32 to index
        %swap3A_390 = tpu.vector_load %arg5[%swap3A_389] {strides = array<i32>} : memref<16384xf32, #tpu.memory_space<vmem>>, vector<16xf32>,
        %swap3A_391 = vector.shape_cast %swap3A_390 : vector<16xf32> to vector<16xf32>
        %swap3A_392 = vector.shape_cast %gather3A_384 : vector<16xf32> to vector<16xf32>
        tpu.vector_store %arg5[%swap3A_389], %swap3A_392 {strides = array<i32>} : memref<16384xf32, #tpu.memory_space<vmem>>, vector<16xf32>,
        %broadcast_in_dim3A_393 = arith.constant 0 : i32
        %broadcast_in_dim3A_394 = vector.broadcast %broadcast_in_dim3A_393 : i32 to vector<16xi32>
        %add3A_395 = arith.constant 10 : i32
        %add3A_396 = vector.broadcast %add3A_395 : i32 to vector<16xi32>
        %add3A_397 = arith.addi %broadcast_in_dim3A_394, %add3A_396 : vector<16xi32>
        %broadcast_in_dim3A_398 = vector.shape_cast %add3A_397 : vector<16xi32> to vector<16x1xi32>
        %gather3A_399 = vector.shape_cast %broadcast_in_dim3A_398 : vector<16x1xi32> to vector<16xi32>
        %gather3A_400 = tpu.dynamic_gather %get3A_70[%gather3A_399] in [0] : vector<16xf32>, vector<16xi32> -> vector<16xf32>
        %mul3A_401 = arith.constant 1024 : i32
        %mul3A_402 = arith.muli %scan3A_63, %mul3A_401 : i32
        %add3A_403 = arith.constant 320 : i32
        %add3A_404 = arith.addi %mul3A_402, %add3A_403 : i32
        %swap3A_405 = arith.index_cast %add3A_404 : i32 to index
        %swap3A_406 = tpu.vector_load %arg5[%swap3A_405] {strides = array<i32>} : memref<16384xf32, #tpu.memory_space<vmem>>, vector<16xf32>,
        %swap3A_407 = vector.shape_cast %swap3A_406 : vector<16xf32> to vector<16xf32>
        %swap3A_408 = vector.shape_cast %gather3A_400 : vector<16xf32> to vector<16xf32>
        tpu.vector_store %arg5[%swap3A_405], %swap3A_408 {strides = array<i32>} : memref<16384xf32, #tpu.memory_space<vmem>>, vector<16xf32>,
        %broadcast_in_dim3A_409 = arith.constant 0 : i32
        %broadcast_in_dim3A_410 = vector.broadcast %broadcast_in_dim3A_409 : i32 to vector<16xi32>
        %add3A_411 = arith.constant 10 : i32
        %add3A_412 = vector.broadcast %add3A_411 : i32 to vector<16xi32>
        %add3A_413 = arith.addi %broadcast_in_dim3A_410, %add3A_412 : vector<16xi32>
        %broadcast_in_dim3A_414 = vector.shape_cast %add3A_413 : vector<16xi32> to vector<16x1xi32>
        %gather3A_415 = vector.shape_cast %broadcast_in_dim3A_414 : vector<16x1xi32> to vector<16xi32>
        %gather3A_416 = tpu.dynamic_gather %get3A_70[%gather3A_415] in [0] : vector<16xf32>, vector<16xi32> -> vector<16xf32>
        %mul3A_417 = arith.constant 1024 : i32
        %mul3A_418 = arith.muli %scan3A_63, %mul3A_417 : i32
        %add3A_419 = arith.constant 336 : i32
        %add3A_420 = arith.addi %mul3A_418, %add3A_419 : i32
        %swap3A_421 = arith.index_cast %add3A_420 : i32 to index
        %swap3A_422 = tpu.vector_load %arg5[%swap3A_421] {strides = array<i32>} : memref<16384xf32, #tpu.memory_space<vmem>>, vector<16xf32>,
        %swap3A_423 = vector.shape_cast %swap3A_422 : vector<16xf32> to vector<16xf32>
        %swap3A_424 = vector.shape_cast %gather3A_416 : vector<16xf32> to vector<16xf32>
        tpu.vector_store %arg5[%swap3A_421], %swap3A_424 {strides = array<i32>} : memref<16384xf32, #tpu.memory_space<vmem>>, vector<16xf32>,
        %broadcast_in_dim3A_425 = arith.constant 0 : i32
        %broadcast_in_dim3A_426 = vector.broadcast %broadcast_in_dim3A_425 : i32 to vector<16xi32>
        %add3A_427 = arith.constant 11 : i32
        %add3A_428 = vector.broadcast %add3A_427 : i32 to vector<16xi32>
        %add3A_429 = arith.addi %broadcast_in_dim3A_426, %add3A_428 : vector<16xi32>
        %broadcast_in_dim3A_430 = vector.shape_cast %add3A_429 : vector<16xi32> to vector<16x1xi32>
        %gather3A_431 = vector.shape_cast %broadcast_in_dim3A_430 : vector<16x1xi32> to vector<16xi32>
        %gather3A_432 = tpu.dynamic_gather %get3A_70[%gather3A_431] in [0] : vector<16xf32>, vector<16xi32> -> vector<16xf32>
        %mul3A_433 = arith.constant 1024 : i32
        %mul3A_434 = arith.muli %scan3A_63, %mul3A_433 : i32
        %add3A_435 = arith.constant 352 : i32
        %add3A_436 = arith.addi %mul3A_434, %add3A_435 : i32
        %swap3A_437 = arith.index_cast %add3A_436 : i32 to index
        %swap3A_438 = tpu.vector_load %arg5[%swap3A_437] {strides = array<i32>} : memref<16384xf32, #tpu.memory_space<vmem>>, vector<16xf32>,
        %swap3A_439 = vector.shape_cast %swap3A_438 : vector<16xf32> to vector<16xf32>
        %swap3A_440 = vector.shape_cast %gather3A_432 : vector<16xf32> to vector<16xf32>
        tpu.vector_store %arg5[%swap3A_437], %swap3A_440 {strides = array<i32>} : memref<16384xf32, #tpu.memory_space<vmem>>, vector<16xf32>,
        %broadcast_in_dim3A_441 = arith.constant 0 : i32
        %broadcast_in_dim3A_442 = vector.broadcast %broadcast_in_dim3A_441 : i32 to vector<16xi32>
        %add3A_443 = arith.constant 11 : i32
        %add3A_444 = vector.broadcast %add3A_443 : i32 to vector<16xi32>
        %add3A_445 = arith.addi %broadcast_in_dim3A_442, %add3A_444 : vector<16xi32>
        %broadcast_in_dim3A_446 = vector.shape_cast %add3A_445 : vector<16xi32> to vector<16x1xi32>
        %gather3A_447 = vector.shape_cast %broadcast_in_dim3A_446 : vector<16x1xi32> to vector<16xi32>
        %gather3A_448 = tpu.dynamic_gather %get3A_70[%gather3A_447] in [0] : vector<16xf32>, vector<16xi32> -> vector<16xf32>
        %mul3A_449 = arith.constant 1024 : i32
        %mul3A_450 = arith.muli %scan3A_63, %mul3A_449 : i32
        %add3A_451 = arith.constant 368 : i32
        %add3A_452 = arith.addi %mul3A_450, %add3A_451 : i32
        %swap3A_453 = arith.index_cast %add3A_452 : i32 to index
        %swap3A_454 = tpu.vector_load %arg5[%swap3A_453] {strides = array<i32>} : memref<16384xf32, #tpu.memory_space<vmem>>, vector<16xf32>,
        %swap3A_455 = vector.shape_cast %swap3A_454 : vector<16xf32> to vector<16xf32>
        %swap3A_456 = vector.shape_cast %gather3A_448 : vector<16xf32> to vector<16xf32>
        tpu.vector_store %arg5[%swap3A_453], %swap3A_456 {strides = array<i32>} : memref<16384xf32, #tpu.memory_space<vmem>>, vector<16xf32>,
        %broadcast_in_dim3A_457 = arith.constant 0 : i32
        %broadcast_in_dim3A_458 = vector.broadcast %broadcast_in_dim3A_457 : i32 to vector<16xi32>
        %add3A_459 = arith.constant 12 : i32
        %add3A_460 = vector.broadcast %add3A_459 : i32 to vector<16xi32>
        %add3A_461 = arith.addi %broadcast_in_dim3A_458, %add3A_460 : vector<16xi32>
        %broadcast_in_dim3A_462 = vector.shape_cast %add3A_461 : vector<16xi32> to vector<16x1xi32>
        %gather3A_463 = vector.shape_cast %broadcast_in_dim3A_462 : vector<16x1xi32> to vector<16xi32>
        %gather3A_464 = tpu.dynamic_gather %get3A_70[%gather3A_463] in [0] : vector<16xf32>, vector<16xi32> -> vector<16xf32>
        %mul3A_465 = arith.constant 1024 : i32
        %mul3A_466 = arith.muli %scan3A_63, %mul3A_465 : i32
        %add3A_467 = arith.constant 384 : i32
        %add3A_468 = arith.addi %mul3A_466, %add3A_467 : i32
        %swap3A_469 = arith.index_cast %add3A_468 : i32 to index
        %swap3A_470 = tpu.vector_load %arg5[%swap3A_469] {strides = array<i32>} : memref<16384xf32, #tpu.memory_space<vmem>>, vector<16xf32>,
        %swap3A_471 = vector.shape_cast %swap3A_470 : vector<16xf32> to vector<16xf32>
        %swap3A_472 = vector.shape_cast %gather3A_464 : vector<16xf32> to vector<16xf32>
        tpu.vector_store %arg5[%swap3A_469], %swap3A_472 {strides = array<i32>} : memref<16384xf32, #tpu.memory_space<vmem>>, vector<16xf32>,
        %broadcast_in_dim3A_473 = arith.constant 0 : i32
        %broadcast_in_dim3A_474 = vector.broadcast %broadcast_in_dim3A_473 : i32 to vector<16xi32>
        %add3A_475 = arith.constant 12 : i32
        %add3A_476 = vector.broadcast %add3A_475 : i32 to vector<16xi32>
        %add3A_477 = arith.addi %broadcast_in_dim3A_474, %add3A_476 : vector<16xi32>
        %broadcast_in_dim3A_478 = vector.shape_cast %add3A_477 : vector<16xi32> to vector<16x1xi32>
        %gather3A_479 = vector.shape_cast %broadcast_in_dim3A_478 : vector<16x1xi32> to vector<16xi32>
        %gather3A_480 = tpu.dynamic_gather %get3A_70[%gather3A_479] in [0] : vector<16xf32>, vector<16xi32> -> vector<16xf32>
        %mul3A_481 = arith.constant 1024 : i32
        %mul3A_482 = arith.muli %scan3A_63, %mul3A_481 : i32
        %add3A_483 = arith.constant 400 : i32
        %add3A_484 = arith.addi %mul3A_482, %add3A_483 : i32
        %swap3A_485 = arith.index_cast %add3A_484 : i32 to index
        %swap3A_486 = tpu.vector_load %arg5[%swap3A_485] {strides = array<i32>} : memref<16384xf32, #tpu.memory_space<vmem>>, vector<16xf32>,
        %swap3A_487 = vector.shape_cast %swap3A_486 : vector<16xf32> to vector<16xf32>
        %swap3A_488 = vector.shape_cast %gather3A_480 : vector<16xf32> to vector<16xf32>
        tpu.vector_store %arg5[%swap3A_485], %swap3A_488 {strides = array<i32>} : memref<16384xf32, #tpu.memory_space<vmem>>, vector<16xf32>,
        %broadcast_in_dim3A_489 = arith.constant 0 : i32
        %broadcast_in_dim3A_490 = vector.broadcast %broadcast_in_dim3A_489 : i32 to vector<16xi32>
        %add3A_491 = arith.constant 13 : i32
        %add3A_492 = vector.broadcast %add3A_491 : i32 to vector<16xi32>
        %add3A_493 = arith.addi %broadcast_in_dim3A_490, %add3A_492 : vector<16xi32>
        %broadcast_in_dim3A_494 = vector.shape_cast %add3A_493 : vector<16xi32> to vector<16x1xi32>
        %gather3A_495 = vector.shape_cast %broadcast_in_dim3A_494 : vector<16x1xi32> to vector<16xi32>
        %gather3A_496 = tpu.dynamic_gather %get3A_70[%gather3A_495] in [0] : vector<16xf32>, vector<16xi32> -> vector<16xf32>
        %mul3A_497 = arith.constant 1024 : i32
        %mul3A_498 = arith.muli %scan3A_63, %mul3A_497 : i32
        %add3A_499 = arith.constant 416 : i32
        %add3A_500 = arith.addi %mul3A_498, %add3A_499 : i32
        %swap3A_501 = arith.index_cast %add3A_500 : i32 to index
        %swap3A_502 = tpu.vector_load %arg5[%swap3A_501] {strides = array<i32>} : memref<16384xf32, #tpu.memory_space<vmem>>, vector<16xf32>,
        %swap3A_503 = vector.shape_cast %swap3A_502 : vector<16xf32> to vector<16xf32>
        %swap3A_504 = vector.shape_cast %gather3A_496 : vector<16xf32> to vector<16xf32>
        tpu.vector_store %arg5[%swap3A_501], %swap3A_504 {strides = array<i32>} : memref<16384xf32, #tpu.memory_space<vmem>>, vector<16xf32>,
        %broadcast_in_dim3A_505 = arith.constant 0 : i32
        %broadcast_in_dim3A_506 = vector.broadcast %broadcast_in_dim3A_505 : i32 to vector<16xi32>
        %add3A_507 = arith.constant 13 : i32
        %add3A_508 = vector.broadcast %add3A_507 : i32 to vector<16xi32>
        %add3A_509 = arith.addi %broadcast_in_dim3A_506, %add3A_508 : vector<16xi32>
        %broadcast_in_dim3A_510 = vector.shape_cast %add3A_509 : vector<16xi32> to vector<16x1xi32>
        %gather3A_511 = vector.shape_cast %broadcast_in_dim3A_510 : vector<16x1xi32> to vector<16xi32>
        %gather3A_512 = tpu.dynamic_gather %get3A_70[%gather3A_511] in [0] : vector<16xf32>, vector<16xi32> -> vector<16xf32>
        %mul3A_513 = arith.constant 1024 : i32
        %mul3A_514 = arith.muli %scan3A_63, %mul3A_513 : i32
        %add3A_515 = arith.constant 432 : i32
        %add3A_516 = arith.addi %mul3A_514, %add3A_515 : i32
        %swap3A_517 = arith.index_cast %add3A_516 : i32 to index
        %swap3A_518 = tpu.vector_load %arg5[%swap3A_517] {strides = array<i32>} : memref<16384xf32, #tpu.memory_space<vmem>>, vector<16xf32>,
        %swap3A_519 = vector.shape_cast %swap3A_518 : vector<16xf32> to vector<16xf32>
        %swap3A_520 = vector.shape_cast %gather3A_512 : vector<16xf32> to vector<16xf32>
        tpu.vector_store %arg5[%swap3A_517], %swap3A_520 {strides = array<i32>} : memref<16384xf32, #tpu.memory_space<vmem>>, vector<16xf32>,
        %broadcast_in_dim3A_521 = arith.constant 0 : i32
        %broadcast_in_dim3A_522 = vector.broadcast %broadcast_in_dim3A_521 : i32 to vector<16xi32>
        %add3A_523 = arith.constant 14 : i32
        %add3A_524 = vector.broadcast %add3A_523 : i32 to vector<16xi32>
        %add3A_525 = arith.addi %broadcast_in_dim3A_522, %add3A_524 : vector<16xi32>
        %broadcast_in_dim3A_526 = vector.shape_cast %add3A_525 : vector<16xi32> to vector<16x1xi32>
        %gather3A_527 = vector.shape_cast %broadcast_in_dim3A_526 : vector<16x1xi32> to vector<16xi32>
        %gather3A_528 = tpu.dynamic_gather %get3A_70[%gather3A_527] in [0] : vector<16xf32>, vector<16xi32> -> vector<16xf32>
        %mul3A_529 = arith.constant 1024 : i32
        %mul3A_530 = arith.muli %scan3A_63, %mul3A_529 : i32
        %add3A_531 = arith.constant 448 : i32
        %add3A_532 = arith.addi %mul3A_530, %add3A_531 : i32
        %swap3A_533 = arith.index_cast %add3A_532 : i32 to index
        %swap3A_534 = tpu.vector_load %arg5[%swap3A_533] {strides = array<i32>} : memref<16384xf32, #tpu.memory_space<vmem>>, vector<16xf32>,
        %swap3A_535 = vector.shape_cast %swap3A_534 : vector<16xf32> to vector<16xf32>
        %swap3A_536 = vector.shape_cast %gather3A_528 : vector<16xf32> to vector<16xf32>
        tpu.vector_store %arg5[%swap3A_533], %swap3A_536 {strides = array<i32>} : memref<16384xf32, #tpu.memory_space<vmem>>, vector<16xf32>,
        %broadcast_in_dim3A_537 = arith.constant 0 : i32
        %broadcast_in_dim3A_538 = vector.broadcast %broadcast_in_dim3A_537 : i32 to vector<16xi32>
        %add3A_539 = arith.constant 14 : i32
        %add3A_540 = vector.broadcast %add3A_539 : i32 to vector<16xi32>
        %add3A_541 = arith.addi %broadcast_in_dim3A_538, %add3A_540 : vector<16xi32>
        %broadcast_in_dim3A_542 = vector.shape_cast %add3A_541 : vector<16xi32> to vector<16x1xi32>
        %gather3A_543 = vector.shape_cast %broadcast_in_dim3A_542 : vector<16x1xi32> to vector<16xi32>
        %gather3A_544 = tpu.dynamic_gather %get3A_70[%gather3A_543] in [0] : vector<16xf32>, vector<16xi32> -> vector<16xf32>
        %mul3A_545 = arith.constant 1024 : i32
        %mul3A_546 = arith.muli %scan3A_63, %mul3A_545 : i32
        %add3A_547 = arith.constant 464 : i32
        %add3A_548 = arith.addi %mul3A_546, %add3A_547 : i32
        %swap3A_549 = arith.index_cast %add3A_548 : i32 to index
        %swap3A_550 = tpu.vector_load %arg5[%swap3A_549] {strides = array<i32>} : memref<16384xf32, #tpu.memory_space<vmem>>, vector<16xf32>,
        %swap3A_551 = vector.shape_cast %swap3A_550 : vector<16xf32> to vector<16xf32>
        %swap3A_552 = vector.shape_cast %gather3A_544 : vector<16xf32> to vector<16xf32>
        tpu.vector_store %arg5[%swap3A_549], %swap3A_552 {strides = array<i32>} : memref<16384xf32, #tpu.memory_space<vmem>>, vector<16xf32>,
        %broadcast_in_dim3A_553 = arith.constant 0 : i32
        %broadcast_in_dim3A_554 = vector.broadcast %broadcast_in_dim3A_553 : i32 to vector<16xi32>
        %add3A_555 = arith.constant 15 : i32
        %add3A_556 = vector.broadcast %add3A_555 : i32 to vector<16xi32>
        %add3A_557 = arith.addi %broadcast_in_dim3A_554, %add3A_556 : vector<16xi32>
        %broadcast_in_dim3A_558 = vector.shape_cast %add3A_557 : vector<16xi32> to vector<16x1xi32>
        %gather3A_559 = vector.shape_cast %broadcast_in_dim3A_558 : vector<16x1xi32> to vector<16xi32>
        %gather3A_560 = tpu.dynamic_gather %get3A_70[%gather3A_559] in [0] : vector<16xf32>, vector<16xi32> -> vector<16xf32>
        %mul3A_561 = arith.constant 1024 : i32
        %mul3A_562 = arith.muli %scan3A_63, %mul3A_561 : i32
        %add3A_563 = arith.constant 480 : i32
        %add3A_564 = arith.addi %mul3A_562, %add3A_563 : i32
        %swap3A_565 = arith.index_cast %add3A_564 : i32 to index
        %swap3A_566 = tpu.vector_load %arg5[%swap3A_565] {strides = array<i32>} : memref<16384xf32, #tpu.memory_space<vmem>>, vector<16xf32>,
        %swap3A_567 = vector.shape_cast %swap3A_566 : vector<16xf32> to vector<16xf32>
        %swap3A_568 = vector.shape_cast %gather3A_560 : vector<16xf32> to vector<16xf32>
        tpu.vector_store %arg5[%swap3A_565], %swap3A_568 {strides = array<i32>} : memref<16384xf32, #tpu.memory_space<vmem>>, vector<16xf32>,
        %broadcast_in_dim3A_569 = arith.constant 0 : i32
        %broadcast_in_dim3A_570 = vector.broadcast %broadcast_in_dim3A_569 : i32 to vector<16xi32>
        %add3A_571 = arith.constant 15 : i32
        %add3A_572 = vector.broadcast %add3A_571 : i32 to vector<16xi32>
        %add3A_573 = arith.addi %broadcast_in_dim3A_570, %add3A_572 : vector<16xi32>
        %broadcast_in_dim3A_574 = vector.shape_cast %add3A_573 : vector<16xi32> to vector<16x1xi32>
        %gather3A_575 = vector.shape_cast %broadcast_in_dim3A_574 : vector<16x1xi32> to vector<16xi32>
        %gather3A_576 = tpu.dynamic_gather %get3A_70[%gather3A_575] in [0] : vector<16xf32>, vector<16xi32> -> vector<16xf32>
        %mul3A_577 = arith.constant 1024 : i32
        %mul3A_578 = arith.muli %scan3A_63, %mul3A_577 : i32
        %add3A_579 = arith.constant 496 : i32
        %add3A_580 = arith.addi %mul3A_578, %add3A_579 : i32
        %swap3A_581 = arith.index_cast %add3A_580 : i32 to index
        %swap3A_582 = tpu.vector_load %arg5[%swap3A_581] {strides = array<i32>} : memref<16384xf32, #tpu.memory_space<vmem>>, vector<16xf32>,
        %swap3A_583 = vector.shape_cast %swap3A_582 : vector<16xf32> to vector<16xf32>
        %swap3A_584 = vector.shape_cast %gather3A_576 : vector<16xf32> to vector<16xf32>
        tpu.vector_store %arg5[%swap3A_581], %swap3A_584 {strides = array<i32>} : memref<16384xf32, #tpu.memory_space<vmem>>, vector<16xf32>,
        %broadcast_in_dim3A_585 = arith.constant 0 : i32
        %broadcast_in_dim3A_586 = vector.broadcast %broadcast_in_dim3A_585 : i32 to vector<16xi32>
        %add3A_587 = arith.constant 0 : i32
        %add3A_588 = vector.broadcast %add3A_587 : i32 to vector<16xi32>
        %add3A_589 = arith.addi %broadcast_in_dim3A_586, %add3A_588 : vector<16xi32>
        %broadcast_in_dim3A_590 = vector.shape_cast %add3A_589 : vector<16xi32> to vector<16x1xi32>
        %gather3A_591 = vector.shape_cast %broadcast_in_dim3A_590 : vector<16x1xi32> to vector<16xi32>
        %gather3A_592 = tpu.dynamic_gather %get3A_75[%gather3A_591] in [0] : vector<16xf32>, vector<16xi32> -> vector<16xf32>
        %mul3A_593 = arith.constant 1024 : i32
        %mul3A_594 = arith.muli %scan3A_63, %mul3A_593 : i32
        %add3A_595 = arith.constant 512 : i32
        %add3A_596 = arith.addi %mul3A_594, %add3A_595 : i32
        %swap3A_597 = arith.index_cast %add3A_596 : i32 to index
        %swap3A_598 = tpu.vector_load %arg5[%swap3A_597] {strides = array<i32>} : memref<16384xf32, #tpu.memory_space<vmem>>, vector<16xf32>,
        %swap3A_599 = vector.shape_cast %swap3A_598 : vector<16xf32> to vector<16xf32>
        %swap3A_600 = vector.shape_cast %gather3A_592 : vector<16xf32> to vector<16xf32>
        tpu.vector_store %arg5[%swap3A_597], %swap3A_600 {strides = array<i32>} : memref<16384xf32, #tpu.memory_space<vmem>>, vector<16xf32>,
        %broadcast_in_dim3A_601 = arith.constant 0 : i32
        %broadcast_in_dim3A_602 = vector.broadcast %broadcast_in_dim3A_601 : i32 to vector<16xi32>
        %add3A_603 = arith.constant 0 : i32
        %add3A_604 = vector.broadcast %add3A_603 : i32 to vector<16xi32>
        %add3A_605 = arith.addi %broadcast_in_dim3A_602, %add3A_604 : vector<16xi32>
        %broadcast_in_dim3A_606 = vector.shape_cast %add3A_605 : vector<16xi32> to vector<16x1xi32>
        %gather3A_607 = vector.shape_cast %broadcast_in_dim3A_606 : vector<16x1xi32> to vector<16xi32>
        %gather3A_608 = tpu.dynamic_gather %get3A_75[%gather3A_607] in [0] : vector<16xf32>, vector<16xi32> -> vector<16xf32>
        %mul3A_609 = arith.constant 1024 : i32
        %mul3A_610 = arith.muli %scan3A_63, %mul3A_609 : i32
        %add3A_611 = arith.constant 528 : i32
        %add3A_612 = arith.addi %mul3A_610, %add3A_611 : i32
        %swap3A_613 = arith.index_cast %add3A_612 : i32 to index
        %swap3A_614 = tpu.vector_load %arg5[%swap3A_613] {strides = array<i32>} : memref<16384xf32, #tpu.memory_space<vmem>>, vector<16xf32>,
        %swap3A_615 = vector.shape_cast %swap3A_614 : vector<16xf32> to vector<16xf32>
        %swap3A_616 = vector.shape_cast %gather3A_608 : vector<16xf32> to vector<16xf32>
        tpu.vector_store %arg5[%swap3A_613], %swap3A_616 {strides = array<i32>} : memref<16384xf32, #tpu.memory_space<vmem>>, vector<16xf32>,
        %broadcast_in_dim3A_617 = arith.constant 0 : i32
        %broadcast_in_dim3A_618 = vector.broadcast %broadcast_in_dim3A_617 : i32 to vector<16xi32>
        %add3A_619 = arith.constant 1 : i32
        %add3A_620 = vector.broadcast %add3A_619 : i32 to vector<16xi32>
        %add3A_621 = arith.addi %broadcast_in_dim3A_618, %add3A_620 : vector<16xi32>
        %broadcast_in_dim3A_622 = vector.shape_cast %add3A_621 : vector<16xi32> to vector<16x1xi32>
        %gather3A_623 = vector.shape_cast %broadcast_in_dim3A_622 : vector<16x1xi32> to vector<16xi32>
        %gather3A_624 = tpu.dynamic_gather %get3A_75[%gather3A_623] in [0] : vector<16xf32>, vector<16xi32> -> vector<16xf32>
        %mul3A_625 = arith.constant 1024 : i32
        %mul3A_626 = arith.muli %scan3A_63, %mul3A_625 : i32
        %add3A_627 = arith.constant 544 : i32
        %add3A_628 = arith.addi %mul3A_626, %add3A_627 : i32
        %swap3A_629 = arith.index_cast %add3A_628 : i32 to index
        %swap3A_630 = tpu.vector_load %arg5[%swap3A_629] {strides = array<i32>} : memref<16384xf32, #tpu.memory_space<vmem>>, vector<16xf32>,
        %swap3A_631 = vector.shape_cast %swap3A_630 : vector<16xf32> to vector<16xf32>
        %swap3A_632 = vector.shape_cast %gather3A_624 : vector<16xf32> to vector<16xf32>
        tpu.vector_store %arg5[%swap3A_629], %swap3A_632 {strides = array<i32>} : memref<16384xf32, #tpu.memory_space<vmem>>, vector<16xf32>,
        %broadcast_in_dim3A_633 = arith.constant 0 : i32
        %broadcast_in_dim3A_634 = vector.broadcast %broadcast_in_dim3A_633 : i32 to vector<16xi32>
        %add3A_635 = arith.constant 1 : i32
        %add3A_636 = vector.broadcast %add3A_635 : i32 to vector<16xi32>
        %add3A_637 = arith.addi %broadcast_in_dim3A_634, %add3A_636 : vector<16xi32>
        %broadcast_in_dim3A_638 = vector.shape_cast %add3A_637 : vector<16xi32> to vector<16x1xi32>
        %gather3A_639 = vector.shape_cast %broadcast_in_dim3A_638 : vector<16x1xi32> to vector<16xi32>
        %gather3A_640 = tpu.dynamic_gather %get3A_75[%gather3A_639] in [0] : vector<16xf32>, vector<16xi32> -> vector<16xf32>
        %mul3A_641 = arith.constant 1024 : i32
        %mul3A_642 = arith.muli %scan3A_63, %mul3A_641 : i32
        %add3A_643 = arith.constant 560 : i32
        %add3A_644 = arith.addi %mul3A_642, %add3A_643 : i32
        %swap3A_645 = arith.index_cast %add3A_644 : i32 to index
        %swap3A_646 = tpu.vector_load %arg5[%swap3A_645] {strides = array<i32>} : memref<16384xf32, #tpu.memory_space<vmem>>, vector<16xf32>,
        %swap3A_647 = vector.shape_cast %swap3A_646 : vector<16xf32> to vector<16xf32>
        %swap3A_648 = vector.shape_cast %gather3A_640 : vector<16xf32> to vector<16xf32>
        tpu.vector_store %arg5[%swap3A_645], %swap3A_648 {strides = array<i32>} : memref<16384xf32, #tpu.memory_space<vmem>>, vector<16xf32>,
        %broadcast_in_dim3A_649 = arith.constant 0 : i32
        %broadcast_in_dim3A_650 = vector.broadcast %broadcast_in_dim3A_649 : i32 to vector<16xi32>
        %add3A_651 = arith.constant 2 : i32
        %add3A_652 = vector.broadcast %add3A_651 : i32 to vector<16xi32>
        %add3A_653 = arith.addi %broadcast_in_dim3A_650, %add3A_652 : vector<16xi32>
        %broadcast_in_dim3A_654 = vector.shape_cast %add3A_653 : vector<16xi32> to vector<16x1xi32>
        %gather3A_655 = vector.shape_cast %broadcast_in_dim3A_654 : vector<16x1xi32> to vector<16xi32>
        %gather3A_656 = tpu.dynamic_gather %get3A_75[%gather3A_655] in [0] : vector<16xf32>, vector<16xi32> -> vector<16xf32>
        %mul3A_657 = arith.constant 1024 : i32
        %mul3A_658 = arith.muli %scan3A_63, %mul3A_657 : i32
        %add3A_659 = arith.constant 576 : i32
        %add3A_660 = arith.addi %mul3A_658, %add3A_659 : i32
        %swap3A_661 = arith.index_cast %add3A_660 : i32 to index
        %swap3A_662 = tpu.vector_load %arg5[%swap3A_661] {strides = array<i32>} : memref<16384xf32, #tpu.memory_space<vmem>>, vector<16xf32>,
        %swap3A_663 = vector.shape_cast %swap3A_662 : vector<16xf32> to vector<16xf32>
        %swap3A_664 = vector.shape_cast %gather3A_656 : vector<16xf32> to vector<16xf32>
        tpu.vector_store %arg5[%swap3A_661], %swap3A_664 {strides = array<i32>} : memref<16384xf32, #tpu.memory_space<vmem>>, vector<16xf32>,
        %broadcast_in_dim3A_665 = arith.constant 0 : i32
        %broadcast_in_dim3A_666 = vector.broadcast %broadcast_in_dim3A_665 : i32 to vector<16xi32>
        %add3A_667 = arith.constant 2 : i32
        %add3A_668 = vector.broadcast %add3A_667 : i32 to vector<16xi32>
        %add3A_669 = arith.addi %broadcast_in_dim3A_666, %add3A_668 : vector<16xi32>
        %broadcast_in_dim3A_670 = vector.shape_cast %add3A_669 : vector<16xi32> to vector<16x1xi32>
        %gather3A_671 = vector.shape_cast %broadcast_in_dim3A_670 : vector<16x1xi32> to vector<16xi32>
        %gather3A_672 = tpu.dynamic_gather %get3A_75[%gather3A_671] in [0] : vector<16xf32>, vector<16xi32> -> vector<16xf32>
        %mul3A_673 = arith.constant 1024 : i32
        %mul3A_674 = arith.muli %scan3A_63, %mul3A_673 : i32
        %add3A_675 = arith.constant 592 : i32
        %add3A_676 = arith.addi %mul3A_674, %add3A_675 : i32
        %swap3A_677 = arith.index_cast %add3A_676 : i32 to index
        %swap3A_678 = tpu.vector_load %arg5[%swap3A_677] {strides = array<i32>} : memref<16384xf32, #tpu.memory_space<vmem>>, vector<16xf32>,
        %swap3A_679 = vector.shape_cast %swap3A_678 : vector<16xf32> to vector<16xf32>
        %swap3A_680 = vector.shape_cast %gather3A_672 : vector<16xf32> to vector<16xf32>
        tpu.vector_store %arg5[%swap3A_677], %swap3A_680 {strides = array<i32>} : memref<16384xf32, #tpu.memory_space<vmem>>, vector<16xf32>,
        %broadcast_in_dim3A_681 = arith.constant 0 : i32
        %broadcast_in_dim3A_682 = vector.broadcast %broadcast_in_dim3A_681 : i32 to vector<16xi32>
        %add3A_683 = arith.constant 3 : i32
        %add3A_684 = vector.broadcast %add3A_683 : i32 to vector<16xi32>
        %add3A_685 = arith.addi %broadcast_in_dim3A_682, %add3A_684 : vector<16xi32>
        %broadcast_in_dim3A_686 = vector.shape_cast %add3A_685 : vector<16xi32> to vector<16x1xi32>
        %gather3A_687 = vector.shape_cast %broadcast_in_dim3A_686 : vector<16x1xi32> to vector<16xi32>
        %gather3A_688 = tpu.dynamic_gather %get3A_75[%gather3A_687] in [0] : vector<16xf32>, vector<16xi32> -> vector<16xf32>
        %mul3A_689 = arith.constant 1024 : i32
        %mul3A_690 = arith.muli %scan3A_63, %mul3A_689 : i32
        %add3A_691 = arith.constant 608 : i32
        %add3A_692 = arith.addi %mul3A_690, %add3A_691 : i32
        %swap3A_693 = arith.index_cast %add3A_692 : i32 to index
        %swap3A_694 = tpu.vector_load %arg5[%swap3A_693] {strides = array<i32>} : memref<16384xf32, #tpu.memory_space<vmem>>, vector<16xf32>,
        %swap3A_695 = vector.shape_cast %swap3A_694 : vector<16xf32> to vector<16xf32>
        %swap3A_696 = vector.shape_cast %gather3A_688 : vector<16xf32> to vector<16xf32>
        tpu.vector_store %arg5[%swap3A_693], %swap3A_696 {strides = array<i32>} : memref<16384xf32, #tpu.memory_space<vmem>>, vector<16xf32>,
        %broadcast_in_dim3A_697 = arith.constant 0 : i32
        %broadcast_in_dim3A_698 = vector.broadcast %broadcast_in_dim3A_697 : i32 to vector<16xi32>
        %add3A_699 = arith.constant 3 : i32
        %add3A_700 = vector.broadcast %add3A_699 : i32 to vector<16xi32>
        %add3A_701 = arith.addi %broadcast_in_dim3A_698, %add3A_700 : vector<16xi32>
        %broadcast_in_dim3A_702 = vector.shape_cast %add3A_701 : vector<16xi32> to vector<16x1xi32>
        %gather3A_703 = vector.shape_cast %broadcast_in_dim3A_702 : vector<16x1xi32> to vector<16xi32>
        %gather3A_704 = tpu.dynamic_gather %get3A_75[%gather3A_703] in [0] : vector<16xf32>, vector<16xi32> -> vector<16xf32>
        %mul3A_705 = arith.constant 1024 : i32
        %mul3A_706 = arith.muli %scan3A_63, %mul3A_705 : i32
        %add3A_707 = arith.constant 624 : i32
        %add3A_708 = arith.addi %mul3A_706, %add3A_707 : i32
        %swap3A_709 = arith.index_cast %add3A_708 : i32 to index
        %swap3A_710 = tpu.vector_load %arg5[%swap3A_709] {strides = array<i32>} : memref<16384xf32, #tpu.memory_space<vmem>>, vector<16xf32>,
        %swap3A_711 = vector.shape_cast %swap3A_710 : vector<16xf32> to vector<16xf32>
        %swap3A_712 = vector.shape_cast %gather3A_704 : vector<16xf32> to vector<16xf32>
        tpu.vector_store %arg5[%swap3A_709], %swap3A_712 {strides = array<i32>} : memref<16384xf32, #tpu.memory_space<vmem>>, vector<16xf32>,
        %broadcast_in_dim3A_713 = arith.constant 0 : i32
        %broadcast_in_dim3A_714 = vector.broadcast %broadcast_in_dim3A_713 : i32 to vector<16xi32>
        %add3A_715 = arith.constant 4 : i32
        %add3A_716 = vector.broadcast %add3A_715 : i32 to vector<16xi32>
        %add3A_717 = arith.addi %broadcast_in_dim3A_714, %add3A_716 : vector<16xi32>
        %broadcast_in_dim3A_718 = vector.shape_cast %add3A_717 : vector<16xi32> to vector<16x1xi32>
        %gather3A_719 = vector.shape_cast %broadcast_in_dim3A_718 : vector<16x1xi32> to vector<16xi32>
        %gather3A_720 = tpu.dynamic_gather %get3A_75[%gather3A_719] in [0] : vector<16xf32>, vector<16xi32> -> vector<16xf32>
        %mul3A_721 = arith.constant 1024 : i32
        %mul3A_722 = arith.muli %scan3A_63, %mul3A_721 : i32
        %add3A_723 = arith.constant 640 : i32
        %add3A_724 = arith.addi %mul3A_722, %add3A_723 : i32
        %swap3A_725 = arith.index_cast %add3A_724 : i32 to index
        %swap3A_726 = tpu.vector_load %arg5[%swap3A_725] {strides = array<i32>} : memref<16384xf32, #tpu.memory_space<vmem>>, vector<16xf32>,
        %swap3A_727 = vector.shape_cast %swap3A_726 : vector<16xf32> to vector<16xf32>
        %swap3A_728 = vector.shape_cast %gather3A_720 : vector<16xf32> to vector<16xf32>
        tpu.vector_store %arg5[%swap3A_725], %swap3A_728 {strides = array<i32>} : memref<16384xf32, #tpu.memory_space<vmem>>, vector<16xf32>,
        %broadcast_in_dim3A_729 = arith.constant 0 : i32
        %broadcast_in_dim3A_730 = vector.broadcast %broadcast_in_dim3A_729 : i32 to vector<16xi32>
        %add3A_731 = arith.constant 4 : i32
        %add3A_732 = vector.broadcast %add3A_731 : i32 to vector<16xi32>
        %add3A_733 = arith.addi %broadcast_in_dim3A_730, %add3A_732 : vector<16xi32>
        %broadcast_in_dim3A_734 = vector.shape_cast %add3A_733 : vector<16xi32> to vector<16x1xi32>
        %gather3A_735 = vector.shape_cast %broadcast_in_dim3A_734 : vector<16x1xi32> to vector<16xi32>
        %gather3A_736 = tpu.dynamic_gather %get3A_75[%gather3A_735] in [0] : vector<16xf32>, vector<16xi32> -> vector<16xf32>
        %mul3A_737 = arith.constant 1024 : i32
        %mul3A_738 = arith.muli %scan3A_63, %mul3A_737 : i32
        %add3A_739 = arith.constant 656 : i32
        %add3A_740 = arith.addi %mul3A_738, %add3A_739 : i32
        %swap3A_741 = arith.index_cast %add3A_740 : i32 to index
        %swap3A_742 = tpu.vector_load %arg5[%swap3A_741] {strides = array<i32>} : memref<16384xf32, #tpu.memory_space<vmem>>, vector<16xf32>,
        %swap3A_743 = vector.shape_cast %swap3A_742 : vector<16xf32> to vector<16xf32>
        %swap3A_744 = vector.shape_cast %gather3A_736 : vector<16xf32> to vector<16xf32>
        tpu.vector_store %arg5[%swap3A_741], %swap3A_744 {strides = array<i32>} : memref<16384xf32, #tpu.memory_space<vmem>>, vector<16xf32>,
        %broadcast_in_dim3A_745 = arith.constant 0 : i32
        %broadcast_in_dim3A_746 = vector.broadcast %broadcast_in_dim3A_745 : i32 to vector<16xi32>
        %add3A_747 = arith.constant 5 : i32
        %add3A_748 = vector.broadcast %add3A_747 : i32 to vector<16xi32>
        %add3A_749 = arith.addi %broadcast_in_dim3A_746, %add3A_748 : vector<16xi32>
        %broadcast_in_dim3A_750 = vector.shape_cast %add3A_749 : vector<16xi32> to vector<16x1xi32>
        %gather3A_751 = vector.shape_cast %broadcast_in_dim3A_750 : vector<16x1xi32> to vector<16xi32>
        %gather3A_752 = tpu.dynamic_gather %get3A_75[%gather3A_751] in [0] : vector<16xf32>, vector<16xi32> -> vector<16xf32>
        %mul3A_753 = arith.constant 1024 : i32
        %mul3A_754 = arith.muli %scan3A_63, %mul3A_753 : i32
        %add3A_755 = arith.constant 672 : i32
        %add3A_756 = arith.addi %mul3A_754, %add3A_755 : i32
        %swap3A_757 = arith.index_cast %add3A_756 : i32 to index
        %swap3A_758 = tpu.vector_load %arg5[%swap3A_757] {strides = array<i32>} : memref<16384xf32, #tpu.memory_space<vmem>>, vector<16xf32>,
        %swap3A_759 = vector.shape_cast %swap3A_758 : vector<16xf32> to vector<16xf32>
        %swap3A_760 = vector.shape_cast %gather3A_752 : vector<16xf32> to vector<16xf32>
        tpu.vector_store %arg5[%swap3A_757], %swap3A_760 {strides = array<i32>} : memref<16384xf32, #tpu.memory_space<vmem>>, vector<16xf32>,
        %broadcast_in_dim3A_761 = arith.constant 0 : i32
        %broadcast_in_dim3A_762 = vector.broadcast %broadcast_in_dim3A_761 : i32 to vector<16xi32>
        %add3A_763 = arith.constant 5 : i32
        %add3A_764 = vector.broadcast %add3A_763 : i32 to vector<16xi32>
        %add3A_765 = arith.addi %broadcast_in_dim3A_762, %add3A_764 : vector<16xi32>
        %broadcast_in_dim3A_766 = vector.shape_cast %add3A_765 : vector<16xi32> to vector<16x1xi32>
        %gather3A_767 = vector.shape_cast %broadcast_in_dim3A_766 : vector<16x1xi32> to vector<16xi32>
        %gather3A_768 = tpu.dynamic_gather %get3A_75[%gather3A_767] in [0] : vector<16xf32>, vector<16xi32> -> vector<16xf32>
        %mul3A_769 = arith.constant 1024 : i32
        %mul3A_770 = arith.muli %scan3A_63, %mul3A_769 : i32
        %add3A_771 = arith.constant 688 : i32
        %add3A_772 = arith.addi %mul3A_770, %add3A_771 : i32
        %swap3A_773 = arith.index_cast %add3A_772 : i32 to index
        %swap3A_774 = tpu.vector_load %arg5[%swap3A_773] {strides = array<i32>} : memref<16384xf32, #tpu.memory_space<vmem>>, vector<16xf32>,
        %swap3A_775 = vector.shape_cast %swap3A_774 : vector<16xf32> to vector<16xf32>
        %swap3A_776 = vector.shape_cast %gather3A_768 : vector<16xf32> to vector<16xf32>
        tpu.vector_store %arg5[%swap3A_773], %swap3A_776 {strides = array<i32>} : memref<16384xf32, #tpu.memory_space<vmem>>, vector<16xf32>,
        %broadcast_in_dim3A_777 = arith.constant 0 : i32
        %broadcast_in_dim3A_778 = vector.broadcast %broadcast_in_dim3A_777 : i32 to vector<16xi32>
        %add3A_779 = arith.constant 6 : i32
        %add3A_780 = vector.broadcast %add3A_779 : i32 to vector<16xi32>
        %add3A_781 = arith.addi %broadcast_in_dim3A_778, %add3A_780 : vector<16xi32>
        %broadcast_in_dim3A_782 = vector.shape_cast %add3A_781 : vector<16xi32> to vector<16x1xi32>
        %gather3A_783 = vector.shape_cast %broadcast_in_dim3A_782 : vector<16x1xi32> to vector<16xi32>
        %gather3A_784 = tpu.dynamic_gather %get3A_75[%gather3A_783] in [0] : vector<16xf32>, vector<16xi32> -> vector<16xf32>
        %mul3A_785 = arith.constant 1024 : i32
        %mul3A_786 = arith.muli %scan3A_63, %mul3A_785 : i32
        %add3A_787 = arith.constant 704 : i32
        %add3A_788 = arith.addi %mul3A_786, %add3A_787 : i32
        %swap3A_789 = arith.index_cast %add3A_788 : i32 to index
        %swap3A_790 = tpu.vector_load %arg5[%swap3A_789] {strides = array<i32>} : memref<16384xf32, #tpu.memory_space<vmem>>, vector<16xf32>,
        %swap3A_791 = vector.shape_cast %swap3A_790 : vector<16xf32> to vector<16xf32>
        %swap3A_792 = vector.shape_cast %gather3A_784 : vector<16xf32> to vector<16xf32>
        tpu.vector_store %arg5[%swap3A_789], %swap3A_792 {strides = array<i32>} : memref<16384xf32, #tpu.memory_space<vmem>>, vector<16xf32>,
        %broadcast_in_dim3A_793 = arith.constant 0 : i32
        %broadcast_in_dim3A_794 = vector.broadcast %broadcast_in_dim3A_793 : i32 to vector<16xi32>
        %add3A_795 = arith.constant 6 : i32
        %add3A_796 = vector.broadcast %add3A_795 : i32 to vector<16xi32>
        %add3A_797 = arith.addi %broadcast_in_dim3A_794, %add3A_796 : vector<16xi32>
        %broadcast_in_dim3A_798 = vector.shape_cast %add3A_797 : vector<16xi32> to vector<16x1xi32>
        %gather3A_799 = vector.shape_cast %broadcast_in_dim3A_798 : vector<16x1xi32> to vector<16xi32>
        %gather3A_800 = tpu.dynamic_gather %get3A_75[%gather3A_799] in [0] : vector<16xf32>, vector<16xi32> -> vector<16xf32>
        %mul3A_801 = arith.constant 1024 : i32
        %mul3A_802 = arith.muli %scan3A_63, %mul3A_801 : i32
        %add3A_803 = arith.constant 720 : i32
        %add3A_804 = arith.addi %mul3A_802, %add3A_803 : i32
        %swap3A_805 = arith.index_cast %add3A_804 : i32 to index
        %swap3A_806 = tpu.vector_load %arg5[%swap3A_805] {strides = array<i32>} : memref<16384xf32, #tpu.memory_space<vmem>>, vector<16xf32>,
        %swap3A_807 = vector.shape_cast %swap3A_806 : vector<16xf32> to vector<16xf32>
        %swap3A_808 = vector.shape_cast %gather3A_800 : vector<16xf32> to vector<16xf32>
        tpu.vector_store %arg5[%swap3A_805], %swap3A_808 {strides = array<i32>} : memref<16384xf32, #tpu.memory_space<vmem>>, vector<16xf32>,
        %broadcast_in_dim3A_809 = arith.constant 0 : i32
        %broadcast_in_dim3A_810 = vector.broadcast %broadcast_in_dim3A_809 : i32 to vector<16xi32>
        %add3A_811 = arith.constant 7 : i32
        %add3A_812 = vector.broadcast %add3A_811 : i32 to vector<16xi32>
        %add3A_813 = arith.addi %broadcast_in_dim3A_810, %add3A_812 : vector<16xi32>
        %broadcast_in_dim3A_814 = vector.shape_cast %add3A_813 : vector<16xi32> to vector<16x1xi32>
        %gather3A_815 = vector.shape_cast %broadcast_in_dim3A_814 : vector<16x1xi32> to vector<16xi32>
        %gather3A_816 = tpu.dynamic_gather %get3A_75[%gather3A_815] in [0] : vector<16xf32>, vector<16xi32> -> vector<16xf32>
        %mul3A_817 = arith.constant 1024 : i32
        %mul3A_818 = arith.muli %scan3A_63, %mul3A_817 : i32
        %add3A_819 = arith.constant 736 : i32
        %add3A_820 = arith.addi %mul3A_818, %add3A_819 : i32
        %swap3A_821 = arith.index_cast %add3A_820 : i32 to index
        %swap3A_822 = tpu.vector_load %arg5[%swap3A_821] {strides = array<i32>} : memref<16384xf32, #tpu.memory_space<vmem>>, vector<16xf32>,
        %swap3A_823 = vector.shape_cast %swap3A_822 : vector<16xf32> to vector<16xf32>
        %swap3A_824 = vector.shape_cast %gather3A_816 : vector<16xf32> to vector<16xf32>
        tpu.vector_store %arg5[%swap3A_821], %swap3A_824 {strides = array<i32>} : memref<16384xf32, #tpu.memory_space<vmem>>, vector<16xf32>,
        %broadcast_in_dim3A_825 = arith.constant 0 : i32
        %broadcast_in_dim3A_826 = vector.broadcast %broadcast_in_dim3A_825 : i32 to vector<16xi32>
        %add3A_827 = arith.constant 7 : i32
        %add3A_828 = vector.broadcast %add3A_827 : i32 to vector<16xi32>
        %add3A_829 = arith.addi %broadcast_in_dim3A_826, %add3A_828 : vector<16xi32>
        %broadcast_in_dim3A_830 = vector.shape_cast %add3A_829 : vector<16xi32> to vector<16x1xi32>
        %gather3A_831 = vector.shape_cast %broadcast_in_dim3A_830 : vector<16x1xi32> to vector<16xi32>
        %gather3A_832 = tpu.dynamic_gather %get3A_75[%gather3A_831] in [0] : vector<16xf32>, vector<16xi32> -> vector<16xf32>
        %mul3A_833 = arith.constant 1024 : i32
        %mul3A_834 = arith.muli %scan3A_63, %mul3A_833 : i32
        %add3A_835 = arith.constant 752 : i32
        %add3A_836 = arith.addi %mul3A_834, %add3A_835 : i32
        %swap3A_837 = arith.index_cast %add3A_836 : i32 to index
        %swap3A_838 = tpu.vector_load %arg5[%swap3A_837] {strides = array<i32>} : memref<16384xf32, #tpu.memory_space<vmem>>, vector<16xf32>,
        %swap3A_839 = vector.shape_cast %swap3A_838 : vector<16xf32> to vector<16xf32>
        %swap3A_840 = vector.shape_cast %gather3A_832 : vector<16xf32> to vector<16xf32>
        tpu.vector_store %arg5[%swap3A_837], %swap3A_840 {strides = array<i32>} : memref<16384xf32, #tpu.memory_space<vmem>>, vector<16xf32>,
        %broadcast_in_dim3A_841 = arith.constant 0 : i32
        %broadcast_in_dim3A_842 = vector.broadcast %broadcast_in_dim3A_841 : i32 to vector<16xi32>
        %add3A_843 = arith.constant 8 : i32
        %add3A_844 = vector.broadcast %add3A_843 : i32 to vector<16xi32>
        %add3A_845 = arith.addi %broadcast_in_dim3A_842, %add3A_844 : vector<16xi32>
        %broadcast_in_dim3A_846 = vector.shape_cast %add3A_845 : vector<16xi32> to vector<16x1xi32>
        %gather3A_847 = vector.shape_cast %broadcast_in_dim3A_846 : vector<16x1xi32> to vector<16xi32>
        %gather3A_848 = tpu.dynamic_gather %get3A_75[%gather3A_847] in [0] : vector<16xf32>, vector<16xi32> -> vector<16xf32>
        %mul3A_849 = arith.constant 1024 : i32
        %mul3A_850 = arith.muli %scan3A_63, %mul3A_849 : i32
        %add3A_851 = arith.constant 768 : i32
        %add3A_852 = arith.addi %mul3A_850, %add3A_851 : i32
        %swap3A_853 = arith.index_cast %add3A_852 : i32 to index
        %swap3A_854 = tpu.vector_load %arg5[%swap3A_853] {strides = array<i32>} : memref<16384xf32, #tpu.memory_space<vmem>>, vector<16xf32>,
        %swap3A_855 = vector.shape_cast %swap3A_854 : vector<16xf32> to vector<16xf32>
        %swap3A_856 = vector.shape_cast %gather3A_848 : vector<16xf32> to vector<16xf32>
        tpu.vector_store %arg5[%swap3A_853], %swap3A_856 {strides = array<i32>} : memref<16384xf32, #tpu.memory_space<vmem>>, vector<16xf32>,
        %broadcast_in_dim3A_857 = arith.constant 0 : i32
        %broadcast_in_dim3A_858 = vector.broadcast %broadcast_in_dim3A_857 : i32 to vector<16xi32>
        %add3A_859 = arith.constant 8 : i32
        %add3A_860 = vector.broadcast %add3A_859 : i32 to vector<16xi32>
        %add3A_861 = arith.addi %broadcast_in_dim3A_858, %add3A_860 : vector<16xi32>
        %broadcast_in_dim3A_862 = vector.shape_cast %add3A_861 : vector<16xi32> to vector<16x1xi32>
        %gather3A_863 = vector.shape_cast %broadcast_in_dim3A_862 : vector<16x1xi32> to vector<16xi32>
        %gather3A_864 = tpu.dynamic_gather %get3A_75[%gather3A_863] in [0] : vector<16xf32>, vector<16xi32> -> vector<16xf32>
        %mul3A_865 = arith.constant 1024 : i32
        %mul3A_866 = arith.muli %scan3A_63, %mul3A_865 : i32
        %add3A_867 = arith.constant 784 : i32
        %add3A_868 = arith.addi %mul3A_866, %add3A_867 : i32
        %swap3A_869 = arith.index_cast %add3A_868 : i32 to index
        %swap3A_870 = tpu.vector_load %arg5[%swap3A_869] {strides = array<i32>} : memref<16384xf32, #tpu.memory_space<vmem>>, vector<16xf32>,
        %swap3A_871 = vector.shape_cast %swap3A_870 : vector<16xf32> to vector<16xf32>
        %swap3A_872 = vector.shape_cast %gather3A_864 : vector<16xf32> to vector<16xf32>
        tpu.vector_store %arg5[%swap3A_869], %swap3A_872 {strides = array<i32>} : memref<16384xf32, #tpu.memory_space<vmem>>, vector<16xf32>,
        %broadcast_in_dim3A_873 = arith.constant 0 : i32
        %broadcast_in_dim3A_874 = vector.broadcast %broadcast_in_dim3A_873 : i32 to vector<16xi32>
        %add3A_875 = arith.constant 9 : i32
        %add3A_876 = vector.broadcast %add3A_875 : i32 to vector<16xi32>
        %add3A_877 = arith.addi %broadcast_in_dim3A_874, %add3A_876 : vector<16xi32>
        %broadcast_in_dim3A_878 = vector.shape_cast %add3A_877 : vector<16xi32> to vector<16x1xi32>
        %gather3A_879 = vector.shape_cast %broadcast_in_dim3A_878 : vector<16x1xi32> to vector<16xi32>
        %gather3A_880 = tpu.dynamic_gather %get3A_75[%gather3A_879] in [0] : vector<16xf32>, vector<16xi32> -> vector<16xf32>
        %mul3A_881 = arith.constant 1024 : i32
        %mul3A_882 = arith.muli %scan3A_63, %mul3A_881 : i32
        %add3A_883 = arith.constant 800 : i32
        %add3A_884 = arith.addi %mul3A_882, %add3A_883 : i32
        %swap3A_885 = arith.index_cast %add3A_884 : i32 to index
        %swap3A_886 = tpu.vector_load %arg5[%swap3A_885] {strides = array<i32>} : memref<16384xf32, #tpu.memory_space<vmem>>, vector<16xf32>,
        %swap3A_887 = vector.shape_cast %swap3A_886 : vector<16xf32> to vector<16xf32>
        %swap3A_888 = vector.shape_cast %gather3A_880 : vector<16xf32> to vector<16xf32>
        tpu.vector_store %arg5[%swap3A_885], %swap3A_888 {strides = array<i32>} : memref<16384xf32, #tpu.memory_space<vmem>>, vector<16xf32>,
        %broadcast_in_dim3A_889 = arith.constant 0 : i32
        %broadcast_in_dim3A_890 = vector.broadcast %broadcast_in_dim3A_889 : i32 to vector<16xi32>
        %add3A_891 = arith.constant 9 : i32
        %add3A_892 = vector.broadcast %add3A_891 : i32 to vector<16xi32>
        %add3A_893 = arith.addi %broadcast_in_dim3A_890, %add3A_892 : vector<16xi32>
        %broadcast_in_dim3A_894 = vector.shape_cast %add3A_893 : vector<16xi32> to vector<16x1xi32>
        %gather3A_895 = vector.shape_cast %broadcast_in_dim3A_894 : vector<16x1xi32> to vector<16xi32>
        %gather3A_896 = tpu.dynamic_gather %get3A_75[%gather3A_895] in [0] : vector<16xf32>, vector<16xi32> -> vector<16xf32>
        %mul3A_897 = arith.constant 1024 : i32
        %mul3A_898 = arith.muli %scan3A_63, %mul3A_897 : i32
        %add3A_899 = arith.constant 816 : i32
        %add3A_900 = arith.addi %mul3A_898, %add3A_899 : i32
        %swap3A_901 = arith.index_cast %add3A_900 : i32 to index
        %swap3A_902 = tpu.vector_load %arg5[%swap3A_901] {strides = array<i32>} : memref<16384xf32, #tpu.memory_space<vmem>>, vector<16xf32>,
        %swap3A_903 = vector.shape_cast %swap3A_902 : vector<16xf32> to vector<16xf32>
        %swap3A_904 = vector.shape_cast %gather3A_896 : vector<16xf32> to vector<16xf32>
        tpu.vector_store %arg5[%swap3A_901], %swap3A_904 {strides = array<i32>} : memref<16384xf32, #tpu.memory_space<vmem>>, vector<16xf32>,
        %broadcast_in_dim3A_905 = arith.constant 0 : i32
        %broadcast_in_dim3A_906 = vector.broadcast %broadcast_in_dim3A_905 : i32 to vector<16xi32>
        %add3A_907 = arith.constant 10 : i32
        %add3A_908 = vector.broadcast %add3A_907 : i32 to vector<16xi32>
        %add3A_909 = arith.addi %broadcast_in_dim3A_906, %add3A_908 : vector<16xi32>
        %broadcast_in_dim3A_910 = vector.shape_cast %add3A_909 : vector<16xi32> to vector<16x1xi32>
        %gather3A_911 = vector.shape_cast %broadcast_in_dim3A_910 : vector<16x1xi32> to vector<16xi32>
        %gather3A_912 = tpu.dynamic_gather %get3A_75[%gather3A_911] in [0] : vector<16xf32>, vector<16xi32> -> vector<16xf32>
        %mul3A_913 = arith.constant 1024 : i32
        %mul3A_914 = arith.muli %scan3A_63, %mul3A_913 : i32
        %add3A_915 = arith.constant 832 : i32
        %add3A_916 = arith.addi %mul3A_914, %add3A_915 : i32
        %swap3A_917 = arith.index_cast %add3A_916 : i32 to index
        %swap3A_918 = tpu.vector_load %arg5[%swap3A_917] {strides = array<i32>} : memref<16384xf32, #tpu.memory_space<vmem>>, vector<16xf32>,
        %swap3A_919 = vector.shape_cast %swap3A_918 : vector<16xf32> to vector<16xf32>
        %swap3A_920 = vector.shape_cast %gather3A_912 : vector<16xf32> to vector<16xf32>
        tpu.vector_store %arg5[%swap3A_917], %swap3A_920 {strides = array<i32>} : memref<16384xf32, #tpu.memory_space<vmem>>, vector<16xf32>,
        %broadcast_in_dim3A_921 = arith.constant 0 : i32
        %broadcast_in_dim3A_922 = vector.broadcast %broadcast_in_dim3A_921 : i32 to vector<16xi32>
        %add3A_923 = arith.constant 10 : i32
        %add3A_924 = vector.broadcast %add3A_923 : i32 to vector<16xi32>
        %add3A_925 = arith.addi %broadcast_in_dim3A_922, %add3A_924 : vector<16xi32>
        %broadcast_in_dim3A_926 = vector.shape_cast %add3A_925 : vector<16xi32> to vector<16x1xi32>
        %gather3A_927 = vector.shape_cast %broadcast_in_dim3A_926 : vector<16x1xi32> to vector<16xi32>
        %gather3A_928 = tpu.dynamic_gather %get3A_75[%gather3A_927] in [0] : vector<16xf32>, vector<16xi32> -> vector<16xf32>
        %mul3A_929 = arith.constant 1024 : i32
        %mul3A_930 = arith.muli %scan3A_63, %mul3A_929 : i32
        %add3A_931 = arith.constant 848 : i32
        %add3A_932 = arith.addi %mul3A_930, %add3A_931 : i32
        %swap3A_933 = arith.index_cast %add3A_932 : i32 to index
        %swap3A_934 = tpu.vector_load %arg5[%swap3A_933] {strides = array<i32>} : memref<16384xf32, #tpu.memory_space<vmem>>, vector<16xf32>,
        %swap3A_935 = vector.shape_cast %swap3A_934 : vector<16xf32> to vector<16xf32>
        %swap3A_936 = vector.shape_cast %gather3A_928 : vector<16xf32> to vector<16xf32>
        tpu.vector_store %arg5[%swap3A_933], %swap3A_936 {strides = array<i32>} : memref<16384xf32, #tpu.memory_space<vmem>>, vector<16xf32>,
        %broadcast_in_dim3A_937 = arith.constant 0 : i32
        %broadcast_in_dim3A_938 = vector.broadcast %broadcast_in_dim3A_937 : i32 to vector<16xi32>
        %add3A_939 = arith.constant 11 : i32
        %add3A_940 = vector.broadcast %add3A_939 : i32 to vector<16xi32>
        %add3A_941 = arith.addi %broadcast_in_dim3A_938, %add3A_940 : vector<16xi32>
        %broadcast_in_dim3A_942 = vector.shape_cast %add3A_941 : vector<16xi32> to vector<16x1xi32>
        %gather3A_943 = vector.shape_cast %broadcast_in_dim3A_942 : vector<16x1xi32> to vector<16xi32>
        %gather3A_944 = tpu.dynamic_gather %get3A_75[%gather3A_943] in [0] : vector<16xf32>, vector<16xi32> -> vector<16xf32>
        %mul3A_945 = arith.constant 1024 : i32
        %mul3A_946 = arith.muli %scan3A_63, %mul3A_945 : i32
        %add3A_947 = arith.constant 864 : i32
        %add3A_948 = arith.addi %mul3A_946, %add3A_947 : i32
        %swap3A_949 = arith.index_cast %add3A_948 : i32 to index
        %swap3A_950 = tpu.vector_load %arg5[%swap3A_949] {strides = array<i32>} : memref<16384xf32, #tpu.memory_space<vmem>>, vector<16xf32>,
        %swap3A_951 = vector.shape_cast %swap3A_950 : vector<16xf32> to vector<16xf32>
        %swap3A_952 = vector.shape_cast %gather3A_944 : vector<16xf32> to vector<16xf32>
        tpu.vector_store %arg5[%swap3A_949], %swap3A_952 {strides = array<i32>} : memref<16384xf32, #tpu.memory_space<vmem>>, vector<16xf32>,
        %broadcast_in_dim3A_953 = arith.constant 0 : i32
        %broadcast_in_dim3A_954 = vector.broadcast %broadcast_in_dim3A_953 : i32 to vector<16xi32>
        %add3A_955 = arith.constant 11 : i32
        %add3A_956 = vector.broadcast %add3A_955 : i32 to vector<16xi32>
        %add3A_957 = arith.addi %broadcast_in_dim3A_954, %add3A_956 : vector<16xi32>
        %broadcast_in_dim3A_958 = vector.shape_cast %add3A_957 : vector<16xi32> to vector<16x1xi32>
        %gather3A_959 = vector.shape_cast %broadcast_in_dim3A_958 : vector<16x1xi32> to vector<16xi32>
        %gather3A_960 = tpu.dynamic_gather %get3A_75[%gather3A_959] in [0] : vector<16xf32>, vector<16xi32> -> vector<16xf32>
        %mul3A_961 = arith.constant 1024 : i32
        %mul3A_962 = arith.muli %scan3A_63, %mul3A_961 : i32
        %add3A_963 = arith.constant 880 : i32
        %add3A_964 = arith.addi %mul3A_962, %add3A_963 : i32
        %swap3A_965 = arith.index_cast %add3A_964 : i32 to index
        %swap3A_966 = tpu.vector_load %arg5[%swap3A_965] {strides = array<i32>} : memref<16384xf32, #tpu.memory_space<vmem>>, vector<16xf32>,
        %swap3A_967 = vector.shape_cast %swap3A_966 : vector<16xf32> to vector<16xf32>
        %swap3A_968 = vector.shape_cast %gather3A_960 : vector<16xf32> to vector<16xf32>
        tpu.vector_store %arg5[%swap3A_965], %swap3A_968 {strides = array<i32>} : memref<16384xf32, #tpu.memory_space<vmem>>, vector<16xf32>,
        %broadcast_in_dim3A_969 = arith.constant 0 : i32
        %broadcast_in_dim3A_970 = vector.broadcast %broadcast_in_dim3A_969 : i32 to vector<16xi32>
        %add3A_971 = arith.constant 12 : i32
        %add3A_972 = vector.broadcast %add3A_971 : i32 to vector<16xi32>
        %add3A_973 = arith.addi %broadcast_in_dim3A_970, %add3A_972 : vector<16xi32>
        %broadcast_in_dim3A_974 = vector.shape_cast %add3A_973 : vector<16xi32> to vector<16x1xi32>
        %gather3A_975 = vector.shape_cast %broadcast_in_dim3A_974 : vector<16x1xi32> to vector<16xi32>
        %gather3A_976 = tpu.dynamic_gather %get3A_75[%gather3A_975] in [0] : vector<16xf32>, vector<16xi32> -> vector<16xf32>
        %mul3A_977 = arith.constant 1024 : i32
        %mul3A_978 = arith.muli %scan3A_63, %mul3A_977 : i32
        %add3A_979 = arith.constant 896 : i32
        %add3A_980 = arith.addi %mul3A_978, %add3A_979 : i32
        %swap3A_981 = arith.index_cast %add3A_980 : i32 to index
        %swap3A_982 = tpu.vector_load %arg5[%swap3A_981] {strides = array<i32>} : memref<16384xf32, #tpu.memory_space<vmem>>, vector<16xf32>,
        %swap3A_983 = vector.shape_cast %swap3A_982 : vector<16xf32> to vector<16xf32>
        %swap3A_984 = vector.shape_cast %gather3A_976 : vector<16xf32> to vector<16xf32>
        tpu.vector_store %arg5[%swap3A_981], %swap3A_984 {strides = array<i32>} : memref<16384xf32, #tpu.memory_space<vmem>>, vector<16xf32>,
        %broadcast_in_dim3A_985 = arith.constant 0 : i32
        %broadcast_in_dim3A_986 = vector.broadcast %broadcast_in_dim3A_985 : i32 to vector<16xi32>
        %add3A_987 = arith.constant 12 : i32
        %add3A_988 = vector.broadcast %add3A_987 : i32 to vector<16xi32>
        %add3A_989 = arith.addi %broadcast_in_dim3A_986, %add3A_988 : vector<16xi32>
        %broadcast_in_dim3A_990 = vector.shape_cast %add3A_989 : vector<16xi32> to vector<16x1xi32>
        %gather3A_991 = vector.shape_cast %broadcast_in_dim3A_990 : vector<16x1xi32> to vector<16xi32>
        %gather3A_992 = tpu.dynamic_gather %get3A_75[%gather3A_991] in [0] : vector<16xf32>, vector<16xi32> -> vector<16xf32>
        %mul3A_993 = arith.constant 1024 : i32
        %mul3A_994 = arith.muli %scan3A_63, %mul3A_993 : i32
        %add3A_995 = arith.constant 912 : i32
        %add3A_996 = arith.addi %mul3A_994, %add3A_995 : i32
        %swap3A_997 = arith.index_cast %add3A_996 : i32 to index
        %swap3A_998 = tpu.vector_load %arg5[%swap3A_997] {strides = array<i32>} : memref<16384xf32, #tpu.memory_space<vmem>>, vector<16xf32>,
        %swap3A_999 = vector.shape_cast %swap3A_998 : vector<16xf32> to vector<16xf32>
        %swap3A_1000 = vector.shape_cast %gather3A_992 : vector<16xf32> to vector<16xf32>
        tpu.vector_store %arg5[%swap3A_997], %swap3A_1000 {strides = array<i32>} : memref<16384xf32, #tpu.memory_space<vmem>>, vector<16xf32>,
        %broadcast_in_dim3A_1001 = arith.constant 0 : i32
        %broadcast_in_dim3A_1002 = vector.broadcast %broadcast_in_dim3A_1001 : i32 to vector<16xi32>
        %add3A_1003 = arith.constant 13 : i32
        %add3A_1004 = vector.broadcast %add3A_1003 : i32 to vector<16xi32>
        %add3A_1005 = arith.addi %broadcast_in_dim3A_1002, %add3A_1004 : vector<16xi32>
        %broadcast_in_dim3A_1006 = vector.shape_cast %add3A_1005 : vector<16xi32> to vector<16x1xi32>
        %gather3A_1007 = vector.shape_cast %broadcast_in_dim3A_1006 : vector<16x1xi32> to vector<16xi32>
        %gather3A_1008 = tpu.dynamic_gather %get3A_75[%gather3A_1007] in [0] : vector<16xf32>, vector<16xi32> -> vector<16xf32>
        %mul3A_1009 = arith.constant 1024 : i32
        %mul3A_1010 = arith.muli %scan3A_63, %mul3A_1009 : i32
        %add3A_1011 = arith.constant 928 : i32
        %add3A_1012 = arith.addi %mul3A_1010, %add3A_1011 : i32
        %swap3A_1013 = arith.index_cast %add3A_1012 : i32 to index
        %swap3A_1014 = tpu.vector_load %arg5[%swap3A_1013] {strides = array<i32>} : memref<16384xf32, #tpu.memory_space<vmem>>, vector<16xf32>,
        %swap3A_1015 = vector.shape_cast %swap3A_1014 : vector<16xf32> to vector<16xf32>
        %swap3A_1016 = vector.shape_cast %gather3A_1008 : vector<16xf32> to vector<16xf32>
        tpu.vector_store %arg5[%swap3A_1013], %swap3A_1016 {strides = array<i32>} : memref<16384xf32, #tpu.memory_space<vmem>>, vector<16xf32>,
        %broadcast_in_dim3A_1017 = arith.constant 0 : i32
        %broadcast_in_dim3A_1018 = vector.broadcast %broadcast_in_dim3A_1017 : i32 to vector<16xi32>
        %add3A_1019 = arith.constant 13 : i32
        %add3A_1020 = vector.broadcast %add3A_1019 : i32 to vector<16xi32>
        %add3A_1021 = arith.addi %broadcast_in_dim3A_1018, %add3A_1020 : vector<16xi32>
        %broadcast_in_dim3A_1022 = vector.shape_cast %add3A_1021 : vector<16xi32> to vector<16x1xi32>
        %gather3A_1023 = vector.shape_cast %broadcast_in_dim3A_1022 : vector<16x1xi32> to vector<16xi32>
        %gather3A_1024 = tpu.dynamic_gather %get3A_75[%gather3A_1023] in [0] : vector<16xf32>, vector<16xi32> -> vector<16xf32>
        %mul3A_1025 = arith.constant 1024 : i32
        %mul3A_1026 = arith.muli %scan3A_63, %mul3A_1025 : i32
        %add3A_1027 = arith.constant 944 : i32
        %add3A_1028 = arith.addi %mul3A_1026, %add3A_1027 : i32
        %swap3A_1029 = arith.index_cast %add3A_1028 : i32 to index
        %swap3A_1030 = tpu.vector_load %arg5[%swap3A_1029] {strides = array<i32>} : memref<16384xf32, #tpu.memory_space<vmem>>, vector<16xf32>,
        %swap3A_1031 = vector.shape_cast %swap3A_1030 : vector<16xf32> to vector<16xf32>
        %swap3A_1032 = vector.shape_cast %gather3A_1024 : vector<16xf32> to vector<16xf32>
        tpu.vector_store %arg5[%swap3A_1029], %swap3A_1032 {strides = array<i32>} : memref<16384xf32, #tpu.memory_space<vmem>>, vector<16xf32>,
        %broadcast_in_dim3A_1033 = arith.constant 0 : i32
        %broadcast_in_dim3A_1034 = vector.broadcast %broadcast_in_dim3A_1033 : i32 to vector<16xi32>
        %add3A_1035 = arith.constant 14 : i32
        %add3A_1036 = vector.broadcast %add3A_1035 : i32 to vector<16xi32>
        %add3A_1037 = arith.addi %broadcast_in_dim3A_1034, %add3A_1036 : vector<16xi32>
        %broadcast_in_dim3A_1038 = vector.shape_cast %add3A_1037 : vector<16xi32> to vector<16x1xi32>
        %gather3A_1039 = vector.shape_cast %broadcast_in_dim3A_1038 : vector<16x1xi32> to vector<16xi32>
        %gather3A_1040 = tpu.dynamic_gather %get3A_75[%gather3A_1039] in [0] : vector<16xf32>, vector<16xi32> -> vector<16xf32>
        %mul3A_1041 = arith.constant 1024 : i32
        %mul3A_1042 = arith.muli %scan3A_63, %mul3A_1041 : i32
        %add3A_1043 = arith.constant 960 : i32
        %add3A_1044 = arith.addi %mul3A_1042, %add3A_1043 : i32
        %swap3A_1045 = arith.index_cast %add3A_1044 : i32 to index
        %swap3A_1046 = tpu.vector_load %arg5[%swap3A_1045] {strides = array<i32>} : memref<16384xf32, #tpu.memory_space<vmem>>, vector<16xf32>,
        %swap3A_1047 = vector.shape_cast %swap3A_1046 : vector<16xf32> to vector<16xf32>
        %swap3A_1048 = vector.shape_cast %gather3A_1040 : vector<16xf32> to vector<16xf32>
        tpu.vector_store %arg5[%swap3A_1045], %swap3A_1048 {strides = array<i32>} : memref<16384xf32, #tpu.memory_space<vmem>>, vector<16xf32>,
        %broadcast_in_dim3A_1049 = arith.constant 0 : i32
        %broadcast_in_dim3A_1050 = vector.broadcast %broadcast_in_dim3A_1049 : i32 to vector<16xi32>
        %add3A_1051 = arith.constant 14 : i32
        %add3A_1052 = vector.broadcast %add3A_1051 : i32 to vector<16xi32>
        %add3A_1053 = arith.addi %broadcast_in_dim3A_1050, %add3A_1052 : vector<16xi32>
        %broadcast_in_dim3A_1054 = vector.shape_cast %add3A_1053 : vector<16xi32> to vector<16x1xi32>
        %gather3A_1055 = vector.shape_cast %broadcast_in_dim3A_1054 : vector<16x1xi32> to vector<16xi32>
        %gather3A_1056 = tpu.dynamic_gather %get3A_75[%gather3A_1055] in [0] : vector<16xf32>, vector<16xi32> -> vector<16xf32>
        %mul3A_1057 = arith.constant 1024 : i32
        %mul3A_1058 = arith.muli %scan3A_63, %mul3A_1057 : i32
        %add3A_1059 = arith.constant 976 : i32
        %add3A_1060 = arith.addi %mul3A_1058, %add3A_1059 : i32
        %swap3A_1061 = arith.index_cast %add3A_1060 : i32 to index
        %swap3A_1062 = tpu.vector_load %arg5[%swap3A_1061] {strides = array<i32>} : memref<16384xf32, #tpu.memory_space<vmem>>, vector<16xf32>,
        %swap3A_1063 = vector.shape_cast %swap3A_1062 : vector<16xf32> to vector<16xf32>
        %swap3A_1064 = vector.shape_cast %gather3A_1056 : vector<16xf32> to vector<16xf32>
        tpu.vector_store %arg5[%swap3A_1061], %swap3A_1064 {strides = array<i32>} : memref<16384xf32, #tpu.memory_space<vmem>>, vector<16xf32>,
        %broadcast_in_dim3A_1065 = arith.constant 0 : i32
        %broadcast_in_dim3A_1066 = vector.broadcast %broadcast_in_dim3A_1065 : i32 to vector<16xi32>
        %add3A_1067 = arith.constant 15 : i32
        %add3A_1068 = vector.broadcast %add3A_1067 : i32 to vector<16xi32>
        %add3A_1069 = arith.addi %broadcast_in_dim3A_1066, %add3A_1068 : vector<16xi32>
        %broadcast_in_dim3A_1070 = vector.shape_cast %add3A_1069 : vector<16xi32> to vector<16x1xi32>
        %gather3A_1071 = vector.shape_cast %broadcast_in_dim3A_1070 : vector<16x1xi32> to vector<16xi32>
        %gather3A_1072 = tpu.dynamic_gather %get3A_75[%gather3A_1071] in [0] : vector<16xf32>, vector<16xi32> -> vector<16xf32>
        %mul3A_1073 = arith.constant 1024 : i32
        %mul3A_1074 = arith.muli %scan3A_63, %mul3A_1073 : i32
        %add3A_1075 = arith.constant 992 : i32
        %add3A_1076 = arith.addi %mul3A_1074, %add3A_1075 : i32
        %swap3A_1077 = arith.index_cast %add3A_1076 : i32 to index
        %swap3A_1078 = tpu.vector_load %arg5[%swap3A_1077] {strides = array<i32>} : memref<16384xf32, #tpu.memory_space<vmem>>, vector<16xf32>,
        %swap3A_1079 = vector.shape_cast %swap3A_1078 : vector<16xf32> to vector<16xf32>
        %swap3A_1080 = vector.shape_cast %gather3A_1072 : vector<16xf32> to vector<16xf32>
        tpu.vector_store %arg5[%swap3A_1077], %swap3A_1080 {strides = array<i32>} : memref<16384xf32, #tpu.memory_space<vmem>>, vector<16xf32>,
        %broadcast_in_dim3A_1081 = arith.constant 0 : i32
        %broadcast_in_dim3A_1082 = vector.broadcast %broadcast_in_dim3A_1081 : i32 to vector<16xi32>
        %add3A_1083 = arith.constant 15 : i32
        %add3A_1084 = vector.broadcast %add3A_1083 : i32 to vector<16xi32>
        %add3A_1085 = arith.addi %broadcast_in_dim3A_1082, %add3A_1084 : vector<16xi32>
        %broadcast_in_dim3A_1086 = vector.shape_cast %add3A_1085 : vector<16xi32> to vector<16x1xi32>
        %gather3A_1087 = vector.shape_cast %broadcast_in_dim3A_1086 : vector<16x1xi32> to vector<16xi32>
        %gather3A_1088 = tpu.dynamic_gather %get3A_75[%gather3A_1087] in [0] : vector<16xf32>, vector<16xi32> -> vector<16xf32>
        %mul3A_1089 = arith.constant 1024 : i32
        %mul3A_1090 = arith.muli %scan3A_63, %mul3A_1089 : i32
        %add3A_1091 = arith.constant 1008 : i32
        %add3A_1092 = arith.addi %mul3A_1090, %add3A_1091 : i32
        %swap3A_1093 = arith.index_cast %add3A_1092 : i32 to index
        %swap3A_1094 = tpu.vector_load %arg5[%swap3A_1093] {strides = array<i32>} : memref<16384xf32, #tpu.memory_space<vmem>>, vector<16xf32>,
        %swap3A_1095 = vector.shape_cast %swap3A_1094 : vector<16xf32> to vector<16xf32>
        %swap3A_1096 = vector.shape_cast %gather3A_1088 : vector<16xf32> to vector<16xf32>
        tpu.vector_store %arg5[%swap3A_1093], %swap3A_1096 {strides = array<i32>} : memref<16384xf32, #tpu.memory_space<vmem>>, vector<16xf32>,
      }
      %scan3A_62 = arith.constant 16 : i32
    } else {
    }
    %mul3A_10 = arith.constant 16384 : i32
    %mul3A_11 = arith.muli %add3A, %mul3A_10 : i32
    %add3A_12 = arith.constant 0 : i32
    %add3A_13 = arith.addi %add3A_12, %mul3A_11 : i32
    %dma_start3A = tpu.memref_slice %arg3[%add3A_13] : memref<4194304xf32, #tpu.memory_space<hbm>> -> memref<16384xf32, #tpu.memory_space<hbm>>
    %dma_start3A_14 = tpu.memref_slice %arg3[%add3A_13] : memref<4194304xf32, #tpu.memory_space<hbm>> -> memref<16384xf32, #tpu.memory_space<hbm>>
    tpu.enqueue_dma source(%arg5 : memref<16384xf32, #tpu.memory_space<vmem>>) target(%dma_start3A_14 : memref<16384xf32, #tpu.memory_space<hbm>>) target_semaphore(%arg6 : memref<!tpu.dma_semaphore, #tpu.memory_space<semaphore_mem>>)
    %add3A_15 = arith.constant 524288 : i32
    %add3A_16 = arith.addi %add3A_15, %mul3A_11 : i32
    %dma_start3A_17 = tpu.memref_slice %arg3[%add3A_16] : memref<4194304xf32, #tpu.memory_space<hbm>> -> memref<16384xf32, #tpu.memory_space<hbm>>
    %dma_start3A_18 = tpu.memref_slice %arg3[%add3A_16] : memref<4194304xf32, #tpu.memory_space<hbm>> -> memref<16384xf32, #tpu.memory_space<hbm>>
    tpu.enqueue_dma source(%arg5 : memref<16384xf32, #tpu.memory_space<vmem>>) target(%dma_start3A_18 : memref<16384xf32, #tpu.memory_space<hbm>>) target_semaphore(%arg6 : memref<!tpu.dma_semaphore, #tpu.memory_space<semaphore_mem>>)
    %add3A_19 = arith.constant 1048576 : i32
    %add3A_20 = arith.addi %add3A_19, %mul3A_11 : i32
    %dma_start3A_21 = tpu.memref_slice %arg3[%add3A_20] : memref<4194304xf32, #tpu.memory_space<hbm>> -> memref<16384xf32, #tpu.memory_space<hbm>>
    %dma_start3A_22 = tpu.memref_slice %arg3[%add3A_20] : memref<4194304xf32, #tpu.memory_space<hbm>> -> memref<16384xf32, #tpu.memory_space<hbm>>
    tpu.enqueue_dma source(%arg5 : memref<16384xf32, #tpu.memory_space<vmem>>) target(%dma_start3A_22 : memref<16384xf32, #tpu.memory_space<hbm>>) target_semaphore(%arg6 : memref<!tpu.dma_semaphore, #tpu.memory_space<semaphore_mem>>)
    %add3A_23 = arith.constant 1572864 : i32
    %add3A_24 = arith.addi %add3A_23, %mul3A_11 : i32
    %dma_start3A_25 = tpu.memref_slice %arg3[%add3A_24] : memref<4194304xf32, #tpu.memory_space<hbm>> -> memref<16384xf32, #tpu.memory_space<hbm>>
    %dma_start3A_26 = tpu.memref_slice %arg3[%add3A_24] : memref<4194304xf32, #tpu.memory_space<hbm>> -> memref<16384xf32, #tpu.memory_space<hbm>>
    tpu.enqueue_dma source(%arg5 : memref<16384xf32, #tpu.memory_space<vmem>>) target(%dma_start3A_26 : memref<16384xf32, #tpu.memory_space<hbm>>) target_semaphore(%arg6 : memref<!tpu.dma_semaphore, #tpu.memory_space<semaphore_mem>>)
    %add3A_27 = arith.constant 2097152 : i32
    %add3A_28 = arith.addi %add3A_27, %mul3A_11 : i32
    %dma_start3A_29 = tpu.memref_slice %arg3[%add3A_28] : memref<4194304xf32, #tpu.memory_space<hbm>> -> memref<16384xf32, #tpu.memory_space<hbm>>
    %dma_start3A_30 = tpu.memref_slice %arg3[%add3A_28] : memref<4194304xf32, #tpu.memory_space<hbm>> -> memref<16384xf32, #tpu.memory_space<hbm>>
    tpu.enqueue_dma source(%arg5 : memref<16384xf32, #tpu.memory_space<vmem>>) target(%dma_start3A_30 : memref<16384xf32, #tpu.memory_space<hbm>>) target_semaphore(%arg6 : memref<!tpu.dma_semaphore, #tpu.memory_space<semaphore_mem>>)
    %add3A_31 = arith.constant 2621440 : i32
    %add3A_32 = arith.addi %add3A_31, %mul3A_11 : i32
    %dma_start3A_33 = tpu.memref_slice %arg3[%add3A_32] : memref<4194304xf32, #tpu.memory_space<hbm>> -> memref<16384xf32, #tpu.memory_space<hbm>>
    %dma_start3A_34 = tpu.memref_slice %arg3[%add3A_32] : memref<4194304xf32, #tpu.memory_space<hbm>> -> memref<16384xf32, #tpu.memory_space<hbm>>
    tpu.enqueue_dma source(%arg5 : memref<16384xf32, #tpu.memory_space<vmem>>) target(%dma_start3A_34 : memref<16384xf32, #tpu.memory_space<hbm>>) target_semaphore(%arg6 : memref<!tpu.dma_semaphore, #tpu.memory_space<semaphore_mem>>)
    %add3A_35 = arith.constant 3145728 : i32
    %add3A_36 = arith.addi %add3A_35, %mul3A_11 : i32
    %dma_start3A_37 = tpu.memref_slice %arg3[%add3A_36] : memref<4194304xf32, #tpu.memory_space<hbm>> -> memref<16384xf32, #tpu.memory_space<hbm>>
    %dma_start3A_38 = tpu.memref_slice %arg3[%add3A_36] : memref<4194304xf32, #tpu.memory_space<hbm>> -> memref<16384xf32, #tpu.memory_space<hbm>>
    tpu.enqueue_dma source(%arg5 : memref<16384xf32, #tpu.memory_space<vmem>>) target(%dma_start3A_38 : memref<16384xf32, #tpu.memory_space<hbm>>) target_semaphore(%arg6 : memref<!tpu.dma_semaphore, #tpu.memory_space<semaphore_mem>>)
    %add3A_39 = arith.constant 3670016 : i32
    %add3A_40 = arith.addi %add3A_39, %mul3A_11 : i32
    %dma_start3A_41 = tpu.memref_slice %arg3[%add3A_40] : memref<4194304xf32, #tpu.memory_space<hbm>> -> memref<16384xf32, #tpu.memory_space<hbm>>
    %dma_start3A_42 = tpu.memref_slice %arg3[%add3A_40] : memref<4194304xf32, #tpu.memory_space<hbm>> -> memref<16384xf32, #tpu.memory_space<hbm>>
    tpu.enqueue_dma source(%arg5 : memref<16384xf32, #tpu.memory_space<vmem>>) target(%dma_start3A_42 : memref<16384xf32, #tpu.memory_space<hbm>>) target_semaphore(%arg6 : memref<!tpu.dma_semaphore, #tpu.memory_space<semaphore_mem>>)
    %dma_wait3A = tpu.memref_slice %arg3[%add3A_13] : memref<4194304xf32, #tpu.memory_space<hbm>> -> memref<16384xf32, #tpu.memory_space<hbm>>
    %dma_wait3A_43 = tpu.memref_slice %arg3[%add3A_13] : memref<4194304xf32, #tpu.memory_space<hbm>> -> memref<16384xf32, #tpu.memory_space<hbm>>
    tpu.wait_dma2 semaphore(%arg6 : memref<!tpu.dma_semaphore, #tpu.memory_space<semaphore_mem>>) src(%arg5 : memref<16384xf32, #tpu.memory_space<vmem>>) dst(%dma_wait3A_43 : memref<16384xf32, #tpu.memory_space<hbm>>)
    %dma_wait3A_44 = tpu.memref_slice %arg3[%add3A_16] : memref<4194304xf32, #tpu.memory_space<hbm>> -> memref<16384xf32, #tpu.memory_space<hbm>>
    %dma_wait3A_45 = tpu.memref_slice %arg3[%add3A_16] : memref<4194304xf32, #tpu.memory_space<hbm>> -> memref<16384xf32, #tpu.memory_space<hbm>>
    tpu.wait_dma2 semaphore(%arg6 : memref<!tpu.dma_semaphore, #tpu.memory_space<semaphore_mem>>) src(%arg5 : memref<16384xf32, #tpu.memory_space<vmem>>) dst(%dma_wait3A_45 : memref<16384xf32, #tpu.memory_space<hbm>>)
    %dma_wait3A_46 = tpu.memref_slice %arg3[%add3A_20] : memref<4194304xf32, #tpu.memory_space<hbm>> -> memref<16384xf32, #tpu.memory_space<hbm>>
    %dma_wait3A_47 = tpu.memref_slice %arg3[%add3A_20] : memref<4194304xf32, #tpu.memory_space<hbm>> -> memref<16384xf32, #tpu.memory_space<hbm>>
    tpu.wait_dma2 semaphore(%arg6 : memref<!tpu.dma_semaphore, #tpu.memory_space<semaphore_mem>>) src(%arg5 : memref<16384xf32, #tpu.memory_space<vmem>>) dst(%dma_wait3A_47 : memref<16384xf32, #tpu.memory_space<hbm>>)
    %dma_wait3A_48 = tpu.memref_slice %arg3[%add3A_24] : memref<4194304xf32, #tpu.memory_space<hbm>> -> memref<16384xf32, #tpu.memory_space<hbm>>
    %dma_wait3A_49 = tpu.memref_slice %arg3[%add3A_24] : memref<4194304xf32, #tpu.memory_space<hbm>> -> memref<16384xf32, #tpu.memory_space<hbm>>
    tpu.wait_dma2 semaphore(%arg6 : memref<!tpu.dma_semaphore, #tpu.memory_space<semaphore_mem>>) src(%arg5 : memref<16384xf32, #tpu.memory_space<vmem>>) dst(%dma_wait3A_49 : memref<16384xf32, #tpu.memory_space<hbm>>)
    %dma_wait3A_50 = tpu.memref_slice %arg3[%add3A_28] : memref<4194304xf32, #tpu.memory_space<hbm>> -> memref<16384xf32, #tpu.memory_space<hbm>>
    %dma_wait3A_51 = tpu.memref_slice %arg3[%add3A_28] : memref<4194304xf32, #tpu.memory_space<hbm>> -> memref<16384xf32, #tpu.memory_space<hbm>>
    tpu.wait_dma2 semaphore(%arg6 : memref<!tpu.dma_semaphore, #tpu.memory_space<semaphore_mem>>) src(%arg5 : memref<16384xf32, #tpu.memory_space<vmem>>) dst(%dma_wait3A_51 : memref<16384xf32, #tpu.memory_space<hbm>>)
    %dma_wait3A_52 = tpu.memref_slice %arg3[%add3A_32] : memref<4194304xf32, #tpu.memory_space<hbm>> -> memref<16384xf32, #tpu.memory_space<hbm>>
    %dma_wait3A_53 = tpu.memref_slice %arg3[%add3A_32] : memref<4194304xf32, #tpu.memory_space<hbm>> -> memref<16384xf32, #tpu.memory_space<hbm>>
    tpu.wait_dma2 semaphore(%arg6 : memref<!tpu.dma_semaphore, #tpu.memory_space<semaphore_mem>>) src(%arg5 : memref<16384xf32, #tpu.memory_space<vmem>>) dst(%dma_wait3A_53 : memref<16384xf32, #tpu.memory_space<hbm>>)
    %dma_wait3A_54 = tpu.memref_slice %arg3[%add3A_36] : memref<4194304xf32, #tpu.memory_space<hbm>> -> memref<16384xf32, #tpu.memory_space<hbm>>
    %dma_wait3A_55 = tpu.memref_slice %arg3[%add3A_36] : memref<4194304xf32, #tpu.memory_space<hbm>> -> memref<16384xf32, #tpu.memory_space<hbm>>
    tpu.wait_dma2 semaphore(%arg6 : memref<!tpu.dma_semaphore, #tpu.memory_space<semaphore_mem>>) src(%arg5 : memref<16384xf32, #tpu.memory_space<vmem>>) dst(%dma_wait3A_55 : memref<16384xf32, #tpu.memory_space<hbm>>)
    %dma_wait3A_56 = tpu.memref_slice %arg3[%add3A_40] : memref<4194304xf32, #tpu.memory_space<hbm>> -> memref<16384xf32, #tpu.memory_space<hbm>>
    %dma_wait3A_57 = tpu.memref_slice %arg3[%add3A_40] : memref<4194304xf32, #tpu.memory_space<hbm>> -> memref<16384xf32, #tpu.memory_space<hbm>>
    tpu.wait_dma2 semaphore(%arg6 : memref<!tpu.dma_semaphore, #tpu.memory_space<semaphore_mem>>) src(%arg5 : memref<16384xf32, #tpu.memory_space<vmem>>) dst(%dma_wait3A_57 : memref<16384xf32, #tpu.memory_space<hbm>>)
    return
  }
}

</mosaic_0001>

<sc_bundles>
// kernel: kernel.3.cloned.1.call-start
scs
__scs_entry_jumppad:
0x0: {  	(pc) =	sbr.rel $0x88, $3  }
0x1: {  	(tag) =	ssettag $0x0;
	lr =	simm.s32 $0x1  }
0x2: {  	[smem:$0x3F9F] =	sst lr;
	_ =	strace $0xD0000000  }
0x3: {  	_ = 	snop  }
0x4: {  	_ = 	snop  }
0x5: {  	_ = 	snop  }
0x6: {  	_ = 	snop  }
0x7: {  	_ = 	snop  }
__scs_overlays_trampoline_lowered:
0x8: {  	[smem:$0x3FAE] =	sst s0  }
0x9: {  	[smem:$0x3FAF] =	sst s1  }
0xa: {  	[smem:$0x3FB0] =	sst s2  }
0xb: {  	[smem:$0x3FB1] =	sst s3  }
0xc: {  	[smem:$0x3FB2] =	sst s4  }
0xd: {  	[smem:$0x3FB3] =	sst s5  }
0xe: {  	[smem:$0x3FB4] =	sst s6  }
0xf: {  	[smem:$0x3FB5] =	sst s7  }
0x10: {  	[smem:$0x3FB6] =	sst s8  }
0x11: {  	[smem:$0x3FB7] =	sst s9;
	s0 =	simm.s32 @!p0 $0x0  }
0x12: {  	s1 =	sld [smem:$0x3F9D];
	s0 =	simm.s32 @p0 $0x1  }
0x13: {  	[smem:$0x3FB8] =	sst s0;
	s0 =	simm.s32 @!p1 $0x0  }
0x14: {  	s2 =	sld [smem:$0x3F9C];
	s0 =	simm.s32 @p1 $0x1  }
0x15: {  	[smem:$0x3FB9] =	sst s0;
	s0 =	simm.s32 @!p2 $0x0  }
0x16: {  	s3 =	sld [smem:$0x3FDB];
	s0 =	simm.s32 @p2 $0x1  }
0x17: {  	s4 =	simm.s32 $0x1BF5;
	[smem:$0x3FBB] =	sst s0  }
0x18: {  	s0 =	sld [smem:$0x3F9E];
	_ =	swait.ge [sflag:s4], $0x0  }
0x19: {  	s7 =	sld [smem:$0x3F9F]  }
0x1a: {  	s8 =	sadd.s32 $0xFFFFE003, lr  }
0x1b: {  	s9 =	sadd.s32 $0xFFFFFEF7, lr;
	s5 =	simm.s32 $0xFFFFFFFF;
	p2 =	slt.u32 s8, $0xFFFFF086  }
0x1c: {  	p1 =	slt.u32 s9, $0xF7A;
	s5 =	simm.s32 @!p2 $0x0  }
0x1d: {  	s5 =	simm.s32 @p1 $0x1;
	p0 =	seq.s32 s7, s2  }
0x1e: {  	s7 =	smul.u32 @!p0 $0xF7A, s2;
	p2 =	seq.s32 @!p0 s5, $0x0  }
0x1f: {  	s9 =	smul.u32 $0xF7A, s1;
	s8 =	simm.s32 @!p0 $0x1BF5;
	p2 =	por !p2, p0  }
0x20: {  	[sflag:s8] =	ssyncset.s32 @!p0 $0xFFFFF086;
	s6 =	sadd.s32 @!p0 s3, s7;
	s7 =	simm.s32 @!p0 $0x108  }
0x21: {  	s3 =	sadd.s32 s3, s9;
	s6 =	sadd.s32 @!p0 $0x88, s6;
	s7 =	simm.s32 @p2 $0x1082  }
0x22: {  	[simem:s7], [sflag:s8] =	dma.local @!p0 [hbm:s6], $0xF7A  }
0x23: {  	s9 =	sor.u32 $0xD0000000, s2;
	s6 =	simm.s32 $0x108;
	_ =	swait.ge @!p0 [sflag:s8], $0x0  }
0x24: {  	s3 =	sadd.s32 $0x88, s3;
	s6 =	simm.s32 @!p1 $0x1082;
	[sflag:s4] =	ssyncset.s32 $0xFFFFF086  }
0x25: {  	[simem:s6], [sflag:s4] =	dma.local [hbm:s3], $0xF7A  }
0x26: {  	[smem:$0x3F9F] =	sst s1;
	(tag) =	ssettag s2;
	_ =	strace s9  }
0x27: {  	s1 =	sld [smem:$0x3FAF]  }
0x28: {  	s2 =	sld [smem:$0x3FB0]  }
0x29: {  	s4 =	sld [smem:$0x3FB2]  }
0x2a: {  	p0 =	seq.s32 s5, $0x0;
	s5 =	sld [smem:$0x3FB3]  }
0x2b: {  	s6 =	sld [smem:$0x3FB4]  }
0x2c: {  	s7 =	sld [smem:$0x3FB5]  }
0x2d: {  	s3 =	simm.s32 $0x108;
	s8 =	sld [smem:$0x3FB6]  }
0x2e: {  	s3 =	simm.s32 @!p0 $0x1082;
	s9 =	sld [smem:$0x3FB7]  }
0x2f: {  	lr =	sadd.s32 s0, s3;
	s0 =	sld [smem:$0x3FAE]  }
0x30: {  	s3 =	sld [smem:$0x3FB1]  }
0x31: {  	[smem:$0x3FBA] =	sst s10  }
0x32: {  	s10 =	sld [smem:$0x3FB8];
	_ =	sdelay $0x3  }
0x33: {  	p0 =	seq.s32 s10, $0x1;
	s10 =	sld [smem:$0x3FBA];
	_ =	sdelay $0x3  }
0x34: {  	[smem:$0x3FBA] =	sst s10  }
0x35: {  	s10 =	sld [smem:$0x3FB9];
	_ =	sdelay $0x3  }
0x36: {  	p1 =	seq.s32 s10, $0x1;
	s10 =	sld [smem:$0x3FBA];
	_ =	sdelay $0x3  }
0x37: {  	[smem:$0x3FBA] =	sst s10  }
0x38: {  	s10 =	sld [smem:$0x3FBB]  }
0x39: {  	_ = 	snop;
	(pc) =	sbr.ind lr, $3  }
0x3a: {  	_ = 	snop  }
0x3b: {  	_ = 	snop  }
0x3c: {  	p2 =	seq.s32 s10, $0x1;
	s10 =	sld [smem:$0x3FBA]  }
0x3d: {  	_ =	shalt  }
0x3e: {  	_ =	shalt  }
0x3f: {  	_ =	shalt  }
0x40: {  	_ =	shalt  }
0x41: {  	_ =	shalt  }
0x42: {  	_ =	shalt  }
0x43: {  	_ =	shalt  }
0x44: {  	_ =	shalt  }
0x45: {  	_ =	shalt  }
0x46: {  	_ =	shalt  }
0x47: {  	_ =	shalt  }
0x48: {  	_ =	shalt  }
0x49: {  	_ =	shalt  }
0x4a: {  	_ =	shalt  }
0x4b: {  	_ =	shalt  }
0x4c: {  	_ =	shalt  }
0x4d: {  	_ =	shalt  }
0x4e: {  	_ =	shalt  }
0x4f: {  	_ =	shalt  }
0x50: {  	_ =	shalt  }
0x51: {  	_ =	shalt  }
0x52: {  	_ =	shalt  }
0x53: {  	_ =	shalt  }
0x54: {  	_ =	shalt  }
0x55: {  	_ =	shalt  }
0x56: {  	_ =	shalt  }
0x57: {  	_ =	shalt  }
0x58: {  	_ =	shalt  }
0x59: {  	_ =	shalt  }
0x5a: {  	_ =	shalt  }
0x5b: {  	_ =	shalt  }
0x5c: {  	_ =	shalt  }
0x5d: {  	_ =	shalt  }
0x5e: {  	_ =	shalt  }
0x5f: {  	_ =	shalt  }
0x60: {  	_ =	shalt  }
0x61: {  	_ =	shalt  }
0x62: {  	_ =	shalt  }
0x63: {  	_ =	shalt  }
0x64: {  	_ =	shalt  }
0x65: {  	_ =	shalt  }
0x66: {  	_ =	shalt  }
0x67: {  	_ =	shalt  }
0x68: {  	_ =	shalt  }
0x69: {  	_ =	shalt  }
0x6a: {  	_ =	shalt  }
0x6b: {  	_ =	shalt  }
0x6c: {  	_ =	shalt  }
0x6d: {  	_ =	shalt  }
0x6e: {  	_ =	shalt  }
0x6f: {  	_ =	shalt  }
0x70: {  	_ =	shalt  }
0x71: {  	_ =	shalt  }
0x72: {  	_ =	shalt  }
0x73: {  	_ =	shalt  }
0x74: {  	_ =	shalt  }
0x75: {  	_ =	shalt  }
0x76: {  	_ =	shalt  }
0x77: {  	_ =	shalt  }
0x78: {  	_ =	shalt  }
0x79: {  	_ =	shalt  }
0x7a: {  	_ =	shalt  }
0x7b: {  	_ =	shalt  }
0x7c: {  	_ =	shalt  }
0x7d: {  	_ =	shalt  }
0x7e: {  	_ =	shalt  }
0x7f: {  	_ =	shalt  }
0x80: {  	_ =	shalt  }
0x81: {  	_ =	shalt  }
0x82: {  	_ =	shalt  }
0x83: {  	_ =	shalt  }
0x84: {  	_ =	shalt  }
0x85: {  	_ =	shalt  }
0x86: {  	_ =	shalt  }
0x87: {  	_ =	shalt  }
.Lfunc_end0:
.L_simem_size_0:
called_computation_lowered:
.L_overlay_start_0:
0x88: {  	s2 =	sld [smem:$0x3FD9]  }
0x89: {  	s3 =	sld [smem:$0x3FFE];
	_ =	sdelay $0x1  }
0x8a: {  	s1 =	srdreg.scid  }
0x8b: {  	s0 =	sand.u32 $0x1, s1  }
0x8c: {  	s17 =	sshll.u32 s0, $0xA;
	s2 =	sadd.s32 s3, s2  }
0x8d: {  	s2 =	sadd.s32 s2, s17  }
0x8e: {  	[smem:$0x3FC6] =	sst s2  }
0x8f: {  	_ = 	snop  }
0x90: {  	s2 =	sld [smem:$0x3FD0];
	(tm) =	ssettm $0x1  }
0x91: {  	s18 =	sld [smem:$0x3FFB];
	_ =	sdelay $0x3  }
0x92: {  	_ =	strace s18  }
0x93: {  	s3 =	sld [smem:$0x3FFC];
	_ =	sdelay $0x3  }
0x94: {  	_ =	strace s3  }
0x95: {  	s3 =	sld [smem:$0x3FFD];
	_ =	sdelay $0x3  }
0x96: {  	_ =	strace s3  }
0x97: {  	_ =	strace $0x8FFFFFFF  }
0x98: {  	s19 =	sld [smem:$0x3FDB];
	_ =	sdelay $0x1  }
0x99: {  	s4 =	simm.s32 $_scs_section_size  }
0x9a: {  	s5 =	simm.s32 $_size__tile_overlayer_lowered;
	s6 =	simm.s32 $_tile_overlayer_lowered  }
0x9b: {  	s22 =	simm.s32 $0x1BFF;
	s21 =	sshll.u32 s6, $0x1;
	s3 =	sadd.s32 s4, s19  }
0x9c: {  	s7 =	simm.s32 $0x0;
	s20 =	sshll.u32 s5, $0x1;
	s5 =	sadd.s32 s21, s3  }
0x9d: {  	[timem:s7], [sflag:s22] =	dma.local [hbm:s5], s20  }
0x9e: {  	_ =	swait.ge [sflag:s22], s20  }
0x9f: {  	s4 =	ssub.s32 $0x0, s20;
	[sflag:s22] =	ssyncset.done $0x0  }
0xa0: {  	[sflag:s22] =	ssyncadd.s32 s4;
	_ =	sdelay $0x1  }
0xa1: {  	s23 =	simm.s32 $0x1B8B  }
0xa2: {  	_ =	swait.ge [sflag:s23], $0x1  }
0xa3: {  	[sflag:s23] =	ssyncset.done $0x0  }
0xa4: {  	s25 =	simm.s32 $0x1B8E;
	s24 =	sld [smem:$0x3FFE];
	[sflag:s23] =	ssyncadd.s32 $0xFFFFFFFF  }
0xa5: {  	s26 =	simm.s32 $execute0_lowered;
	[smem:$0x3FD2] =	sst s25  }
0xa6: {  	s5 =	sshll.u32 s26, $0x1;
	_ =	strace $0x80000046;
	[dreg:$0x1] =	wrdreg $0xFFFFFFFF  }
0xa7: {  	s28 =	simm.s32 $_size_execute0_lowered;
	s3 =	sadd.s32 s3, s5;
	[dreg:$0x0] =	wrdreg $0x0  }
0xa8: {  	s5 =	sshll.u32 s28, $0x1;
	[dreg:$0x2] =	wrdreg s3  }
0xa9: {  	[dreg:$0x3] =	wrdreg s5  }
0xaa: {  	[dreg:$0x4] =	wrdreg $0xC0  }
0xab: {  	_ =	task [dreg:s7], $0x5FFFF  }
0xac: {  	[dreg:$0x1] =	wrdreg $0xFFFFFFFF  }
0xad: {  	[dreg:$0x0] =	wrdreg $0x60  }
0xae: {  	[dreg:$0x2] =	wrdreg s24  }
0xaf: {  	[dreg:$0x3] =	wrdreg s2  }
0xb0: {  	[dreg:$0x4] =	wrdreg $0x9  }
0xb1: {  	_ =	task.clear_ibuf [dreg:s7], $0x5FFFF;
	_ =	strace $0x90000046  }
0xb2: {  	s29 =	simm.s32 $0x9;
	_ =	strace $0x80000048  }
0xb3: {  	_ =	swait.ge [sflag:s29], $0x1  }
0xb4: {  	[sflag:s29] =	ssyncadd.s32 $0xFFFFFFFF  }
0xb5: {  	_ =	strace $0x90000048  }
0xb6: {  	_ =	sfence  }
0xb7: {  	s30 =	sld [smem:$0x0];
	_ =	sdelay $0x2  }
0xb8: {  	s31 =	sshll.u32 s1, $0xD;
	s1 =	sshrl.u32 s1, $0x2  }
0xb9: {  	s3 =	sand.u32 $0x4000, s31;
	s1 =	sadd.s32 s1, s30  }
0xba: {  	s0 =	sor.u32 s3, s0;
	s1 =	sshll.u32 s1, $0x11  }
0xbb: {  	s0 =	sor.u32 s1, s0  }
0xbc: {  	s0 =	sadd.s32 $0x8F2B, s0  }
0xbd: {  	[sflag:s0] =	ssyncadd.remote.s32 $0x1  }
0xbe: {  	_ =	sfence.sel $0xFFFF  }
0xbf: {  	[dreg:$0x0] =	wrdreg $0xFFFFFFFF;
	(pc) =	sbr.abs _section_cstart, $3  }
0xc0: {  	[dreg:$0x1] =	wrdreg $0xFFFFFFFF  }
0xc1: {  	_ =	task.clear_ibuf [dreg:s7], $0x2FFFF;
	_ =	strace $0x9FFFFFFF  }
0xc2: {  	(tm) =	ssettm $0x7FFFFFFF  }
0xc3: {  	_ =	shalt  }
tec
execute0_lowered:
.L_overlay_start_1:
0x0: {  	(tag) =	ssettag $0x1  }
0x1: {  	s3 =	rddreg [dreg:$0x0]  }
0x2: {  	s4 =	rddreg [dreg:$0x1]  }
0x3: {  	s0 =	rddreg [dreg:$0x2];
	s2 =	simm.s32 $0x0  }
0x4: {  	s5 =	srdreg.scid;
	s1 =	stileid.u32;
	s14 =	simm.s32 $0x2  }
0x5: {  	s15 =	simm.s32 $0x4000;
	s16 =	simm.s32 $0x1;
	[smem:$0x7FF] =	sst s2  }
0x6: {  	s5 =	sand.u32 $0x1, s5;
	s13 =	sshll.u32 s1, $0xB;
	s3 =	sadd.s32 $0x600, s3  }
0x7: {  	_ =	strace $0x80000047;
	s6 =	ssub.s32 $0x2, s5;
	s7 =	sshll.u32 s5, $0xF  }
0x8: {  	v0 =	vimm.s32 $0x0;
	v1 =	vimm.s32 $0x1;
	v2 =	vimm.s32 $0x2;
	p0 =	seq.s32 s5, $0x1;
	s17 =	sshrl.u32 s13, $0x2;
	s8 =	sshrl.u32 s6, $0x1  }
.Ltmp0:
0x9: {  	v3 =	vimm.s32 $0x3;
	v4 =	vimm.s32 $0x4;
	s7 =	sor.u32 s13, s7;
	s18 =	sor.u32 $0x2010, s17;
	v16 =	vmov s17;
	(pc) =	sbr.rel .LBB2_1-.Ltmp0, $4  }
0xa: {  	v5 =	vimm.s32 $0x5;
	v6 =	vimm.s32 $0x6;
	v7 =	vimm.s32 $0x7;
	s13 =	sshll.u32 s1, $0x9;
	s17 =	simm.s32 $0x0;
	s4 =	sadd.s32 s4, s7  }
0xb: {  	v8 =	vimm.s32 $0x8;
	v9 =	vimm.s32 $0x9;
	v10 =	vimm.s32 $0xA;
	s12 =	ssub.s32 s6, s8;
	s5 =	sadd.s32 $0x10000, s4;
	s6 =	sadd.s32 $0x20000, s4  }
0xc: {  	v11 =	vimm.s32 $0xB;
	v12 =	vimm.s32 $0xC;
	v13 =	vimm.s32 $0xD;
	s7 =	sadd.s32 $0x30000, s4;
	s8 =	sadd.s32 $0x40000, s4;
	s9 =	sadd.s32 $0x50000, s4  }
0xd: {  	v14 =	vimm.s32 $0xE;
	v15 =	vimm.s32 $0xF;
	v17 =	vmov s18;
	s10 =	sadd.s32 $0x60000, s4;
	s11 =	sadd.s32 $0x70000, s4;
	s12 =	smax.u32 s12, $0x1  }
.LBB2_7:
0xe: {  	[tilespmem:s18+$0x1F0] =	vst v18  }
.LBB2_8:
0xf: {  	[hbm4b:s4+s2] =	stream.linear.scatter [tilespmem:s15], [sflag:$0x1], $0x4000, $0x38;
	[tilespmem:$0x8000] =	vst v63  }
0x10: {  	_ = 	snop  }
0x11: {  	[hbm4b:s5+s2] =	stream.linear.scatter [tilespmem:s15], [sflag:$0x1], $0x4000, $0x38;
	[tilespmem:$0x8000] =	vst v63  }
0x12: {  	_ = 	snop  }
0x13: {  	[hbm4b:s6+s2] =	stream.linear.scatter [tilespmem:s15], [sflag:$0x1], $0x4000, $0x38;
	[tilespmem:$0x8000] =	vst v63  }
0x14: {  	_ = 	snop  }
0x15: {  	[hbm4b:s7+s2] =	stream.linear.scatter [tilespmem:s15], [sflag:$0x1], $0x4000, $0x38;
	[tilespmem:$0x8000] =	vst v63  }
0x16: {  	_ = 	snop  }
0x17: {  	[hbm4b:s8+s2] =	stream.linear.scatter [tilespmem:s15], [sflag:$0x1], $0x4000, $0x38;
	[tilespmem:$0x8000] =	vst v63  }
0x18: {  	_ = 	snop  }
0x19: {  	[hbm4b:s9+s2] =	stream.linear.scatter [tilespmem:s15], [sflag:$0x1], $0x4000, $0x38;
	[tilespmem:$0x8000] =	vst v63  }
0x1a: {  	_ = 	snop  }
0x1b: {  	[hbm4b:s10+s2] =	stream.linear.scatter [tilespmem:s15], [sflag:$0x1], $0x4000, $0x38;
	[tilespmem:$0x8000] =	vst v63  }
0x1c: {  	_ = 	snop  }
0x1d: {  	[hbm4b:s11+s2] =	stream.linear.scatter [tilespmem:s15], [sflag:$0x1], $0x4000, $0x38;
	[tilespmem:$0x8000] =	vst v63  }
0x1e: {  	_ =	swait.ge [sflag:s16], $0x4000  }
0x1f: {  	[sflag:s16] =	ssyncset.done $0x0  }
0x20: {  	[sflag:s16] =	ssyncadd.s32 $0xFFFFC000  }
0x21: {  	_ =	swait.ge [sflag:s16], $0x4000  }
0x22: {  	[sflag:s16] =	ssyncset.done $0x0  }
0x23: {  	[sflag:s16] =	ssyncadd.s32 $0xFFFFC000  }
0x24: {  	_ =	swait.ge [sflag:s16], $0x4000  }
0x25: {  	[sflag:s16] =	ssyncset.done $0x0  }
0x26: {  	[sflag:s16] =	ssyncadd.s32 $0xFFFFC000  }
0x27: {  	_ =	swait.ge [sflag:s16], $0x4000  }
0x28: {  	[sflag:s16] =	ssyncset.done $0x0  }
0x29: {  	[sflag:s16] =	ssyncadd.s32 $0xFFFFC000  }
0x2a: {  	_ =	swait.ge [sflag:s16], $0x4000  }
0x2b: {  	[sflag:s16] =	ssyncset.done $0x0  }
0x2c: {  	[sflag:s16] =	ssyncadd.s32 $0xFFFFC000  }
0x2d: {  	_ =	swait.ge [sflag:s16], $0x4000  }
0x2e: {  	[sflag:s16] =	ssyncset.done $0x0  }
0x2f: {  	s17 =	sadd.s32 $0x1, s17;
	[sflag:s16] =	ssyncadd.s32 $0xFFFFC000  }
0x30: {  	p1 =	sne.s32 s17, s12;
	_ =	swait.ge [sflag:s16], $0x4000  }
.Ltmp1:
0x31: {  	[sflag:s16] =	ssyncset.done $0x0;
	(pc) =	sbr.rel @!p1 .LBB2_9-.Ltmp1, $4  }
0x32: {  	[sflag:s16] =	ssyncadd.s32 $0xFFFFC000  }
0x33: {  	_ =	swait.ge [sflag:s16], $0x4000  }
0x34: {  	[sflag:s16] =	ssyncset.done $0x0  }
0x35: {  	[sflag:s16] =	ssyncadd.s32 $0xFFFFC000  }
.LBB2_1:
.Ltmp2:
0x36: {  	(pc) =	sbr.rel @!p0 .LBB2_2-.Ltmp2, $4  }
0x37: {  	[tilespmem:s2], [sflag:$0x2] =	stream.linear.gather [hbm4b:s3+s2], $0x4000, $0x38;
	[tilespmem:$0x8000] =	vst v63  }
0x38: {  	_ =	swait.ge [sflag:s14], $0x4000  }
0x39: {  	[sflag:s14] =	ssyncset.done $0x0  }
0x3a: {  	s18 =	simm.s32 $0x4200;
	[sflag:s14] =	ssyncadd.s32 $0xFFFFC000  }
0x3b: {  	s19 =	sand.u32 $0x1FE0, s13  }
0x3c: {  	v18 =	vld [tilespmem:s19+$0x2000];
	_ =	sdelay $0x4  }
0x3d: {  	v19 =	vperm.xlane v18, v0  }
0x3e: {  	s31 =	simm.s32 $0x0  }
0x3f: {  	v20 =	vld.idx.msk [tilespmem:v17+s31+$0x0 ss:$0x1], $0xffff;
	v21 =	vperm.xlane v18, v1;
	[tilespmem:s18+$0xFFFFFE00] =	vst v19  }
0x40: {  	[tilespmem:s18+$0xFFFFFE10] =	vst v19  }
0x41: {  	v58 =	vperm.xlane v18, v3;
	[tilespmem:s18+$0xFFFFFE20] =	vst v21  }
0x42: {  	[tilespmem:s18+$0xFFFFFE30] =	vst v21  }
0x43: {  	v59 =	vperm.xlane v18, v5;
	[tilespmem:s18+$0xFFFFFE60] =	vst v58  }
0x44: {  	[tilespmem:s18+$0xFFFFFE70] =	vst v58  }
0x45: {  	v60 =	vperm.xlane v18, v7;
	[tilespmem:s18+$0xFFFFFEA0] =	vst v59  }
0x46: {  	[tilespmem:s18+$0xFFFFFEB0] =	vst v59  }
0x47: {  	v19 =	vperm.xlane v18, v2;
	[tilespmem:s18+$0xFFFFFEE0] =	vst v60  }
0x48: {  	[tilespmem:s18+$0xFFFFFEF0] =	vst v60  }
0x49: {  	v61 =	vperm.xlane v18, v9;
	[tilespmem:s18+$0xFFFFFE40] =	vst v19  }
0x4a: {  	[tilespmem:s18+$0xFFFFFE50] =	vst v19;
	v19 =	vperm.xlane v18, v4  }
0x4b: {  	[tilespmem:s18+$0xFFFFFF20] =	vst v61  }
0x4c: {  	[tilespmem:s18+$0xFFFFFE80] =	vst v19  }
0x4d: {  	[tilespmem:s18+$0xFFFFFE90] =	vst v19;
	v19 =	vperm.xlane v18, v6  }
0x4e: {  	[tilespmem:s18+$0xFFFFFF30] =	vst v61  }
0x4f: {  	v62 =	vperm.xlane v18, v11;
	[tilespmem:s18+$0xFFFFFEC0] =	vst v19  }
0x50: {  	[tilespmem:s18+$0xFFFFFED0] =	vst v19;
	v19 =	vperm.xlane v18, v8  }
0x51: {  	[tilespmem:s18+$0xFFFFFF60] =	vst v62  }
0x52: {  	[tilespmem:s18+$0xFFFFFF00] =	vst v19  }
0x53: {  	[tilespmem:s18+$0xFFFFFF10] =	vst v19;
	v19 =	vperm.xlane v18, v10  }
0x54: {  	[tilespmem:s18+$0xFFFFFF70] =	vst v62  }
0x55: {  	v63 =	vperm.xlane v18, v13;
	[tilespmem:s18+$0xFFFFFF40] =	vst v19  }
0x56: {  	[tilespmem:s18+$0xFFFFFF50] =	vst v19;
	v19 =	vperm.xlane v18, v12  }
0x57: {  	[tilespmem:s18+$0xFFFFFFA0] =	vst v63  }
0x58: {  	[tilespmem:s18+$0xFFFFFF80] =	vst v19  }
0x59: {  	[tilespmem:s18+$0xFFFFFF90] =	vst v19;
	v19 =	vperm.xlane v18, v14  }
0x5a: {  	[tilespmem:s18+$0xFFFFFFB0] =	vst v63  }
0x5b: {  	v18 =	vperm.xlane v18, v15;
	[tilespmem:s18+$0xFFFFFFC0] =	vst v19  }
0x5c: {  	[tilespmem:s18+$0xFFFFFFD0] =	vst v19  }
0x5d: {  	[tilespmem:s18+$0xFFFFFFE0] =	vst v18;
	v19 =	vperm.xlane v20, v0  }
0x5e: {  	[tilespmem:s18+$0xFFFFFFF0] =	vst v18  }
0x5f: {  	v18 =	vperm.xlane v20, v1;
	[tilespmem:s18+$0x0] =	vst v19  }
0x60: {  	[tilespmem:s18+$0x10] =	vst v19  }
0x61: {  	[tilespmem:s18+$0x20] =	vst v18;
	v19 =	vperm.xlane v20, v2  }
0x62: {  	[tilespmem:s18+$0x30] =	vst v18  }
0x63: {  	v18 =	vperm.xlane v20, v3;
	[tilespmem:s18+$0x40] =	vst v19  }
0x64: {  	[tilespmem:s18+$0x50] =	vst v19  }
0x65: {  	[tilespmem:s18+$0x60] =	vst v18;
	v19 =	vperm.xlane v20, v4  }
0x66: {  	[tilespmem:s18+$0x70] =	vst v18  }
0x67: {  	v18 =	vperm.xlane v20, v5;
	[tilespmem:s18+$0x80] =	vst v19  }
0x68: {  	[tilespmem:s18+$0x90] =	vst v19  }
0x69: {  	[tilespmem:s18+$0xA0] =	vst v18;
	v19 =	vperm.xlane v20, v6  }
0x6a: {  	[tilespmem:s18+$0xB0] =	vst v18  }
0x6b: {  	v18 =	vperm.xlane v20, v7;
	[tilespmem:s18+$0xC0] =	vst v19  }
0x6c: {  	[tilespmem:s18+$0xD0] =	vst v19  }
0x6d: {  	[tilespmem:s18+$0xE0] =	vst v18;
	v19 =	vperm.xlane v20, v8  }
0x6e: {  	[tilespmem:s18+$0xF0] =	vst v18  }
0x6f: {  	v18 =	vperm.xlane v20, v9;
	[tilespmem:s18+$0x100] =	vst v19  }
0x70: {  	[tilespmem:s18+$0x110] =	vst v19  }
0x71: {  	[tilespmem:s18+$0x120] =	vst v18;
	v19 =	vperm.xlane v20, v10  }
0x72: {  	[tilespmem:s18+$0x130] =	vst v18  }
0x73: {  	v18 =	vperm.xlane v20, v11;
	[tilespmem:s18+$0x140] =	vst v19  }
0x74: {  	[tilespmem:s18+$0x150] =	vst v19  }
0x75: {  	[tilespmem:s18+$0x160] =	vst v18;
	v19 =	vperm.xlane v20, v12  }
0x76: {  	[tilespmem:s18+$0x170] =	vst v18  }
0x77: {  	v18 =	vperm.xlane v20, v13;
	[tilespmem:s18+$0x180] =	vst v19  }
0x78: {  	[tilespmem:s18+$0x190] =	vst v19  }
0x79: {  	[tilespmem:s18+$0x1A0] =	vst v18;
	v19 =	vperm.xlane v20, v14  }
0x7a: {  	[tilespmem:s18+$0x1B0] =	vst v18  }
0x7b: {  	v18 =	vperm.xlane v20, v15;
	[tilespmem:s18+$0x1C0] =	vst v19  }
0x7c: {  	[tilespmem:s18+$0x1D0] =	vst v19  }
0x7d: {  	s20 =	sadd.s32 $0x20, s13;
	s19 =	simm.s32 $0x80;
	[tilespmem:s18+$0x1E0] =	vst v18  }
.LBB2_6:
0x7e: {  	s21 =	sand.u32 $0x1FE0, s20;
	p1 =	sne.s32 s19, $0x780;
	[tilespmem:s18+$0x1F0] =	vst v18;
	s18 =	sadd.s32 $0x400, s18  }
0x7f: {  	v19 =	vld [tilespmem:s21+$0x2000];
	s21 =	smov.u32 s19;
	s19 =	sadd.s32 $0x80, s19;
	_ =	sdelay $0x4  }
0x80: {  	s21 =	sshra.s32 s21, $0x2;
	v20 =	vperm.xlane v19, v0  }
0x81: {  	v18 =	vld.idx.msk [tilespmem:v17+s21+$0x0 ss:$0x1], $0xffff  }
0x82: {  	v21 =	vperm.xlane v19, v1;
	[tilespmem:s18+$0xFFFFFE00] =	vst v20  }
0x83: {  	[tilespmem:s18+$0xFFFFFE10] =	vst v20  }
0x84: {  	v20 =	vperm.xlane v19, v2;
	[tilespmem:s18+$0xFFFFFE20] =	vst v21  }
0x85: {  	[tilespmem:s18+$0xFFFFFE30] =	vst v21  }
0x86: {  	v21 =	vperm.xlane v19, v3;
	[tilespmem:s18+$0xFFFFFE40] =	vst v20  }
0x87: {  	[tilespmem:s18+$0xFFFFFE50] =	vst v20  }
0x88: {  	v20 =	vperm.xlane v19, v4;
	[tilespmem:s18+$0xFFFFFE60] =	vst v21  }
0x89: {  	[tilespmem:s18+$0xFFFFFE70] =	vst v21  }
0x8a: {  	v21 =	vperm.xlane v19, v5;
	[tilespmem:s18+$0xFFFFFE80] =	vst v20  }
0x8b: {  	[tilespmem:s18+$0xFFFFFE90] =	vst v20  }
0x8c: {  	v20 =	vperm.xlane v19, v6;
	[tilespmem:s18+$0xFFFFFEA0] =	vst v21  }
0x8d: {  	[tilespmem:s18+$0xFFFFFEB0] =	vst v21  }
0x8e: {  	v21 =	vperm.xlane v19, v7;
	[tilespmem:s18+$0xFFFFFEC0] =	vst v20  }
0x8f: {  	[tilespmem:s18+$0xFFFFFED0] =	vst v20  }
0x90: {  	v20 =	vperm.xlane v19, v8;
	[tilespmem:s18+$0xFFFFFEE0] =	vst v21  }
0x91: {  	[tilespmem:s18+$0xFFFFFEF0] =	vst v21  }
0x92: {  	v21 =	vperm.xlane v19, v9;
	[tilespmem:s18+$0xFFFFFF00] =	vst v20  }
0x93: {  	[tilespmem:s18+$0xFFFFFF10] =	vst v20  }
0x94: {  	v20 =	vperm.xlane v19, v10;
	[tilespmem:s18+$0xFFFFFF20] =	vst v21  }
0x95: {  	[tilespmem:s18+$0xFFFFFF30] =	vst v21  }
0x96: {  	v21 =	vperm.xlane v19, v11;
	[tilespmem:s18+$0xFFFFFF40] =	vst v20  }
0x97: {  	[tilespmem:s18+$0xFFFFFF50] =	vst v20  }
0x98: {  	v20 =	vperm.xlane v19, v12;
	[tilespmem:s18+$0xFFFFFF60] =	vst v21  }
0x99: {  	[tilespmem:s18+$0xFFFFFF70] =	vst v21  }
0x9a: {  	v21 =	vperm.xlane v19, v13;
	[tilespmem:s18+$0xFFFFFF80] =	vst v20  }
0x9b: {  	[tilespmem:s18+$0xFFFFFF90] =	vst v20  }
0x9c: {  	v20 =	vperm.xlane v19, v14;
	[tilespmem:s18+$0xFFFFFFA0] =	vst v21  }
0x9d: {  	[tilespmem:s18+$0xFFFFFFB0] =	vst v21  }
0x9e: {  	v19 =	vperm.xlane v19, v15;
	[tilespmem:s18+$0xFFFFFFC0] =	vst v20  }
0x9f: {  	[tilespmem:s18+$0xFFFFFFD0] =	vst v20  }
0xa0: {  	v20 =	vperm.xlane v18, v0;
	[tilespmem:s18+$0xFFFFFFE0] =	vst v19  }
0xa1: {  	[tilespmem:s18+$0xFFFFFFF0] =	vst v19  }
0xa2: {  	v19 =	vperm.xlane v18, v1;
	[tilespmem:s18+$0x0] =	vst v20  }
0xa3: {  	[tilespmem:s18+$0x10] =	vst v20  }
0xa4: {  	v20 =	vperm.xlane v18, v2;
	[tilespmem:s18+$0x20] =	vst v19  }
0xa5: {  	[tilespmem:s18+$0x30] =	vst v19  }
0xa6: {  	v19 =	vperm.xlane v18, v3;
	[tilespmem:s18+$0x40] =	vst v20  }
0xa7: {  	[tilespmem:s18+$0x50] =	vst v20  }
0xa8: {  	v20 =	vperm.xlane v18, v4;
	[tilespmem:s18+$0x60] =	vst v19  }
0xa9: {  	[tilespmem:s18+$0x70] =	vst v19  }
0xaa: {  	v19 =	vperm.xlane v18, v5;
	[tilespmem:s18+$0x80] =	vst v20  }
0xab: {  	[tilespmem:s18+$0x90] =	vst v20  }
0xac: {  	v20 =	vperm.xlane v18, v6;
	[tilespmem:s18+$0xA0] =	vst v19  }
0xad: {  	[tilespmem:s18+$0xB0] =	vst v19  }
0xae: {  	v19 =	vperm.xlane v18, v7;
	[tilespmem:s18+$0xC0] =	vst v20  }
0xaf: {  	[tilespmem:s18+$0xD0] =	vst v20  }
0xb0: {  	v20 =	vperm.xlane v18, v8;
	[tilespmem:s18+$0xE0] =	vst v19  }
0xb1: {  	[tilespmem:s18+$0xF0] =	vst v19  }
0xb2: {  	v19 =	vperm.xlane v18, v9;
	[tilespmem:s18+$0x100] =	vst v20  }
0xb3: {  	[tilespmem:s18+$0x110] =	vst v20  }
0xb4: {  	v20 =	vperm.xlane v18, v10;
	[tilespmem:s18+$0x120] =	vst v19  }
0xb5: {  	[tilespmem:s18+$0x130] =	vst v19  }
0xb6: {  	v19 =	vperm.xlane v18, v11;
	[tilespmem:s18+$0x140] =	vst v20  }
0xb7: {  	[tilespmem:s18+$0x150] =	vst v20  }
0xb8: {  	v20 =	vperm.xlane v18, v12;
	[tilespmem:s18+$0x160] =	vst v19  }
0xb9: {  	[tilespmem:s18+$0x170] =	vst v19  }
0xba: {  	v19 =	vperm.xlane v18, v13;
	[tilespmem:s18+$0x180] =	vst v20  }
0xbb: {  	[tilespmem:s18+$0x190] =	vst v20  }
.Ltmp3:
0xbc: {  	v20 =	vperm.xlane v18, v14;
	[tilespmem:s18+$0x1A0] =	vst v19;
	(pc) =	sbr.rel @p1 .LBB2_6-.Ltmp3, $4  }
0xbd: {  	[tilespmem:s18+$0x1B0] =	vst v19  }
0xbe: {  	v18 =	vperm.xlane v18, v15;
	[tilespmem:s18+$0x1C0] =	vst v20  }
0xbf: {  	[tilespmem:s18+$0x1D0] =	vst v20  }
0xc0: {  	s20 =	sadd.s32 $0x20, s20;
	[tilespmem:s18+$0x1E0] =	vst v18  }
.Ltmp4:
0xc1: {  	_ = 	snop;
	(pc) =	sbr.rel .LBB2_7-.Ltmp4, $1  }
0xc2: {  	_ =	sdelay $0x3  }
.LBB2_2:
0xc3: {  	_ =	sdelay $0x2  }
0xc4: {  	s19 =	sshra.s32 s2, $0x2  }
0xc5: {  	v18 =	vld.idx.msk [tilespmem:v16+s19+$0x10 ss:$0x1], $0xffff;
	_ =	sdelay $0x4  }
0xc6: {  	v19 =	vld.idx.msk [tilespmem:v16+s19+$0x0 ss:$0x1], $0xffff;
	[tilespmem:s18+$0x1B0] =	vst v18  }
0xc7: {  	[tilespmem:s18+$0xFFFFFEB0] =	vst v18  }
0xc8: {  	[tilespmem:s18+$0xFFFFFE90] =	vst v18  }
0xc9: {  	[tilespmem:s18+$0xFFFFFE70] =	vst v18  }
0xca: {  	[tilespmem:s18+$0xFFFFFE50] =	vst v18  }
0xcb: {  	[tilespmem:s18+$0xFFFFFE30] =	vst v18  }
0xcc: {  	[tilespmem:s18+$0xFFFFFEC0] =	vst v19  }
0xcd: {  	[tilespmem:s18+$0xFFFFFEA0] =	vst v19  }
0xce: {  	[tilespmem:s18+$0xFFFFFE80] =	vst v19  }
0xcf: {  	[tilespmem:s18+$0xFFFFFE60] =	vst v19  }
0xd0: {  	[tilespmem:s18+$0xFFFFFE40] =	vst v19  }
0xd1: {  	[tilespmem:s18+$0xFFFFFE20] =	vst v19  }
0xd2: {  	[tilespmem:s18+$0xFFFFFE10] =	vst v18  }
0xd3: {  	[tilespmem:s18+$0xFFFFFE00] =	vst v19  }
0xd4: {  	[tilespmem:s18+$0x1C0] =	vst v19  }
0xd5: {  	[tilespmem:s18+$0x1A0] =	vst v19  }
0xd6: {  	[tilespmem:s18+$0x190] =	vst v18  }
0xd7: {  	[tilespmem:s18+$0x180] =	vst v19  }
0xd8: {  	[tilespmem:s18+$0x170] =	vst v18  }
0xd9: {  	[tilespmem:s18+$0x160] =	vst v19  }
0xda: {  	[tilespmem:s18+$0x150] =	vst v18  }
0xdb: {  	[tilespmem:s18+$0x140] =	vst v19  }
0xdc: {  	[tilespmem:s18+$0x130] =	vst v18  }
0xdd: {  	[tilespmem:s18+$0x120] =	vst v19  }
0xde: {  	[tilespmem:s18+$0x110] =	vst v18  }
0xdf: {  	[tilespmem:s18+$0x100] =	vst v19  }
0xe0: {  	[tilespmem:s18+$0xF0] =	vst v18  }
0xe1: {  	[tilespmem:s18+$0xE0] =	vst v19  }
0xe2: {  	[tilespmem:s18+$0xD0] =	vst v18  }
0xe3: {  	[tilespmem:s18+$0xC0] =	vst v19  }
0xe4: {  	[tilespmem:s18+$0xB0] =	vst v18  }
0xe5: {  	[tilespmem:s18+$0xA0] =	vst v19  }
0xe6: {  	[tilespmem:s18+$0x90] =	vst v18  }
0xe7: {  	[tilespmem:s18+$0x80] =	vst v19  }
0xe8: {  	[tilespmem:s18+$0x70] =	vst v18  }
0xe9: {  	[tilespmem:s18+$0x60] =	vst v19  }
0xea: {  	[tilespmem:s18+$0x50] =	vst v18  }
0xeb: {  	[tilespmem:s18+$0x40] =	vst v19  }
0xec: {  	[tilespmem:s18+$0x30] =	vst v18  }
0xed: {  	[tilespmem:s18+$0x20] =	vst v19  }
0xee: {  	[tilespmem:s18+$0x10] =	vst v18  }
0xef: {  	[tilespmem:s18+$0x0] =	vst v19  }
0xf0: {  	[tilespmem:s18+$0xFFFFFFF0] =	vst v18  }
0xf1: {  	[tilespmem:s18+$0xFFFFFFE0] =	vst v19  }
0xf2: {  	[tilespmem:s18+$0xFFFFFFD0] =	vst v18  }
0xf3: {  	[tilespmem:s18+$0xFFFFFFC0] =	vst v19  }
0xf4: {  	[tilespmem:s18+$0xFFFFFFB0] =	vst v18  }
0xf5: {  	[tilespmem:s18+$0xFFFFFFA0] =	vst v19  }
0xf6: {  	[tilespmem:s18+$0xFFFFFF90] =	vst v18  }
0xf7: {  	[tilespmem:s18+$0xFFFFFF80] =	vst v19  }
0xf8: {  	[tilespmem:s18+$0xFFFFFF70] =	vst v18  }
0xf9: {  	[tilespmem:s18+$0xFFFFFF60] =	vst v19  }
0xfa: {  	[tilespmem:s18+$0xFFFFFF50] =	vst v18  }
0xfb: {  	[tilespmem:s18+$0xFFFFFF40] =	vst v19  }
0xfc: {  	[tilespmem:s18+$0xFFFFFF30] =	vst v18  }
0xfd: {  	[tilespmem:s18+$0xFFFFFF20] =	vst v19  }
0xfe: {  	[tilespmem:s18+$0xFFFFFF10] =	vst v18  }
0xff: {  	[tilespmem:s18+$0xFFFFFF00] =	vst v19  }
0x100: {  	[tilespmem:s18+$0xFFFFFEF0] =	vst v18  }
0x101: {  	[tilespmem:s18+$0xFFFFFEE0] =	vst v19  }
0x102: {  	[tilespmem:s18+$0xFFFFFED0] =	vst v18  }
0x103: {  	[tilespmem:s18+$0x1D0] =	vst v18  }
0x104: {  	s31 =	sadd.s32 $0x80, s2;
	[tilespmem:s18+$0x1E0] =	vst v19  }
0x105: {  	s20 =	sshra.s32 s31, $0x2;
	s19 =	sadd.s32 $0x80, s31;
	[tilespmem:s18+$0x1F0] =	vst v18  }
.LBB2_3:
0x106: {  	p1 =	seq.s32 s19, $0x780;
	v18 =	vld.idx.msk [tilespmem:v16+s20+$0x10 ss:$0x1], $0xffff;
	_ =	sdelay $0x4  }
0x107: {  	s18 =	sadd.s32 $0x400, s18  }
0x108: {  	v19 =	vld.idx.msk [tilespmem:v16+s20+$0x0 ss:$0x1], $0xffff;
	[tilespmem:s18+$0x1B0] =	vst v18  }
0x109: {  	[tilespmem:s18+$0xFFFFFEB0] =	vst v18  }
0x10a: {  	[tilespmem:s18+$0xFFFFFE90] =	vst v18  }
0x10b: {  	[tilespmem:s18+$0xFFFFFE70] =	vst v18  }
0x10c: {  	[tilespmem:s18+$0xFFFFFE50] =	vst v18  }
0x10d: {  	[tilespmem:s18+$0xFFFFFE30] =	vst v18  }
0x10e: {  	[tilespmem:s18+$0xFFFFFEC0] =	vst v19  }
0x10f: {  	[tilespmem:s18+$0xFFFFFEA0] =	vst v19  }
0x110: {  	[tilespmem:s18+$0xFFFFFE80] =	vst v19  }
0x111: {  	[tilespmem:s18+$0xFFFFFE60] =	vst v19  }
0x112: {  	[tilespmem:s18+$0xFFFFFE40] =	vst v19  }
0x113: {  	[tilespmem:s18+$0xFFFFFE20] =	vst v19  }
0x114: {  	[tilespmem:s18+$0xFFFFFE10] =	vst v18  }
0x115: {  	[tilespmem:s18+$0xFFFFFE00] =	vst v19  }
0x116: {  	[tilespmem:s18+$0x1C0] =	vst v19  }
0x117: {  	[tilespmem:s18+$0x1A0] =	vst v19  }
0x118: {  	[tilespmem:s18+$0x190] =	vst v18  }
0x119: {  	[tilespmem:s18+$0x180] =	vst v19  }
0x11a: {  	[tilespmem:s18+$0x170] =	vst v18  }
0x11b: {  	[tilespmem:s18+$0x160] =	vst v19  }
0x11c: {  	[tilespmem:s18+$0x150] =	vst v18  }
0x11d: {  	[tilespmem:s18+$0x140] =	vst v19  }
0x11e: {  	[tilespmem:s18+$0x130] =	vst v18  }
0x11f: {  	[tilespmem:s18+$0x120] =	vst v19  }
0x120: {  	[tilespmem:s18+$0x110] =	vst v18  }
0x121: {  	[tilespmem:s18+$0x100] =	vst v19  }
0x122: {  	[tilespmem:s18+$0xF0] =	vst v18  }
0x123: {  	[tilespmem:s18+$0xE0] =	vst v19  }
0x124: {  	[tilespmem:s18+$0xD0] =	vst v18  }
0x125: {  	[tilespmem:s18+$0xC0] =	vst v19  }
0x126: {  	[tilespmem:s18+$0xB0] =	vst v18  }
0x127: {  	[tilespmem:s18+$0xA0] =	vst v19  }
0x128: {  	[tilespmem:s18+$0x90] =	vst v18  }
0x129: {  	[tilespmem:s18+$0x80] =	vst v19  }
0x12a: {  	[tilespmem:s18+$0x70] =	vst v18  }
0x12b: {  	[tilespmem:s18+$0x60] =	vst v19  }
0x12c: {  	[tilespmem:s18+$0x50] =	vst v18  }
0x12d: {  	[tilespmem:s18+$0x40] =	vst v19  }
0x12e: {  	[tilespmem:s18+$0x30] =	vst v18  }
0x12f: {  	[tilespmem:s18+$0x20] =	vst v19  }
0x130: {  	[tilespmem:s18+$0x10] =	vst v18  }
0x131: {  	[tilespmem:s18+$0x0] =	vst v19  }
0x132: {  	[tilespmem:s18+$0xFFFFFFF0] =	vst v18  }
0x133: {  	[tilespmem:s18+$0xFFFFFFE0] =	vst v19  }
0x134: {  	[tilespmem:s18+$0xFFFFFFD0] =	vst v18  }
0x135: {  	[tilespmem:s18+$0xFFFFFFC0] =	vst v19  }
0x136: {  	[tilespmem:s18+$0xFFFFFFB0] =	vst v18  }
0x137: {  	[tilespmem:s18+$0xFFFFFFA0] =	vst v19  }
0x138: {  	[tilespmem:s18+$0xFFFFFF90] =	vst v18  }
0x139: {  	[tilespmem:s18+$0xFFFFFF80] =	vst v19  }
0x13a: {  	[tilespmem:s18+$0xFFFFFF70] =	vst v18  }
0x13b: {  	[tilespmem:s18+$0xFFFFFF60] =	vst v19  }
0x13c: {  	[tilespmem:s18+$0xFFFFFF50] =	vst v18  }
0x13d: {  	[tilespmem:s18+$0xFFFFFF40] =	vst v19  }
0x13e: {  	[tilespmem:s18+$0xFFFFFF30] =	vst v18  }
0x13f: {  	[tilespmem:s18+$0xFFFFFF20] =	vst v19  }
0x140: {  	[tilespmem:s18+$0xFFFFFF10] =	vst v18  }
0x141: {  	[tilespmem:s18+$0xFFFFFF00] =	vst v19  }
0x142: {  	[tilespmem:s18+$0xFFFFFEF0] =	vst v18  }
.Ltmp5:
0x143: {  	[tilespmem:s18+$0xFFFFFEE0] =	vst v19;
	(pc) =	sbr.rel @!p1 .LBB2_3-.Ltmp5, $4  }
0x144: {  	[tilespmem:s18+$0xFFFFFED0] =	vst v18  }
0x145: {  	[tilespmem:s18+$0x1D0] =	vst v18  }
0x146: {  	[tilespmem:s18+$0x1E0] =	vst v19  }
0x147: {  	s20 =	sshra.s32 s19, $0x2;
	s19 =	sadd.s32 $0x80, s19;
	[tilespmem:s18+$0x1F0] =	vst v18  }
0x148: {  	_ =	sdelay $0x3  }
0x149: {  	v18 =	vld.idx.msk [tilespmem:v16+s20+$0x10 ss:$0x1], $0xffff;
	_ =	sdelay $0x3  }
0x14a: {  	s18 =	sadd.s32 $0x400, s18  }
0x14b: {  	v19 =	vld.idx.msk [tilespmem:v16+s20+$0x0 ss:$0x1], $0xffff;
	[tilespmem:s18+$0x1B0] =	vst v18  }
0x14c: {  	[tilespmem:s18+$0xFFFFFEB0] =	vst v18  }
0x14d: {  	[tilespmem:s18+$0xFFFFFE90] =	vst v18  }
0x14e: {  	[tilespmem:s18+$0xFFFFFE70] =	vst v18  }
0x14f: {  	[tilespmem:s18+$0xFFFFFE50] =	vst v18  }
0x150: {  	[tilespmem:s18+$0xFFFFFE30] =	vst v18  }
0x151: {  	[tilespmem:s18+$0xFFFFFEC0] =	vst v19  }
0x152: {  	[tilespmem:s18+$0xFFFFFEA0] =	vst v19  }
0x153: {  	[tilespmem:s18+$0xFFFFFE80] =	vst v19  }
0x154: {  	[tilespmem:s18+$0xFFFFFE60] =	vst v19  }
0x155: {  	[tilespmem:s18+$0xFFFFFE40] =	vst v19  }
0x156: {  	[tilespmem:s18+$0xFFFFFE20] =	vst v19  }
0x157: {  	[tilespmem:s18+$0xFFFFFE10] =	vst v18  }
0x158: {  	[tilespmem:s18+$0xFFFFFE00] =	vst v19  }
0x159: {  	[tilespmem:s18+$0x1C0] =	vst v19  }
0x15a: {  	[tilespmem:s18+$0x1A0] =	vst v19  }
0x15b: {  	[tilespmem:s18+$0x190] =	vst v18  }
0x15c: {  	[tilespmem:s18+$0x180] =	vst v19  }
0x15d: {  	[tilespmem:s18+$0x170] =	vst v18  }
0x15e: {  	[tilespmem:s18+$0x160] =	vst v19  }
0x15f: {  	[tilespmem:s18+$0x150] =	vst v18  }
0x160: {  	[tilespmem:s18+$0x140] =	vst v19  }
0x161: {  	[tilespmem:s18+$0x130] =	vst v18  }
0x162: {  	[tilespmem:s18+$0x120] =	vst v19  }
0x163: {  	[tilespmem:s18+$0x110] =	vst v18  }
0x164: {  	[tilespmem:s18+$0x100] =	vst v19  }
0x165: {  	[tilespmem:s18+$0xF0] =	vst v18  }
0x166: {  	[tilespmem:s18+$0xE0] =	vst v19  }
0x167: {  	[tilespmem:s18+$0xD0] =	vst v18  }
0x168: {  	[tilespmem:s18+$0xC0] =	vst v19  }
0x169: {  	[tilespmem:s18+$0xB0] =	vst v18  }
0x16a: {  	[tilespmem:s18+$0xA0] =	vst v19  }
0x16b: {  	[tilespmem:s18+$0x90] =	vst v18  }
0x16c: {  	[tilespmem:s18+$0x80] =	vst v19  }
0x16d: {  	[tilespmem:s18+$0x70] =	vst v18  }
0x16e: {  	[tilespmem:s18+$0x60] =	vst v19  }
0x16f: {  	[tilespmem:s18+$0x50] =	vst v18  }
0x170: {  	[tilespmem:s18+$0x40] =	vst v19  }
0x171: {  	[tilespmem:s18+$0x30] =	vst v18  }
0x172: {  	[tilespmem:s18+$0x20] =	vst v19  }
0x173: {  	[tilespmem:s18+$0x10] =	vst v18  }
0x174: {  	[tilespmem:s18+$0x0] =	vst v19  }
0x175: {  	[tilespmem:s18+$0xFFFFFFF0] =	vst v18  }
0x176: {  	[tilespmem:s18+$0xFFFFFFE0] =	vst v19  }
0x177: {  	[tilespmem:s18+$0xFFFFFFD0] =	vst v18  }
0x178: {  	[tilespmem:s18+$0xFFFFFFC0] =	vst v19  }
0x179: {  	[tilespmem:s18+$0xFFFFFFB0] =	vst v18  }
0x17a: {  	[tilespmem:s18+$0xFFFFFFA0] =	vst v19  }
0x17b: {  	[tilespmem:s18+$0xFFFFFF90] =	vst v18  }
0x17c: {  	[tilespmem:s18+$0xFFFFFF80] =	vst v19  }
0x17d: {  	[tilespmem:s18+$0xFFFFFF70] =	vst v18  }
0x17e: {  	[tilespmem:s18+$0xFFFFFF60] =	vst v19  }
0x17f: {  	[tilespmem:s18+$0xFFFFFF50] =	vst v18  }
0x180: {  	[tilespmem:s18+$0xFFFFFF40] =	vst v19  }
0x181: {  	[tilespmem:s18+$0xFFFFFF30] =	vst v18  }
0x182: {  	[tilespmem:s18+$0xFFFFFF20] =	vst v19  }
0x183: {  	[tilespmem:s18+$0xFFFFFF10] =	vst v18  }
0x184: {  	[tilespmem:s18+$0xFFFFFF00] =	vst v19  }
0x185: {  	[tilespmem:s18+$0xFFFFFEF0] =	vst v18  }
.Ltmp6:
0x186: {  	[tilespmem:s18+$0xFFFFFEE0] =	vst v19;
	(pc) =	sbr.rel .LBB2_8-.Ltmp6, $4  }
0x187: {  	[tilespmem:s18+$0xFFFFFED0] =	vst v18  }
0x188: {  	[tilespmem:s18+$0x1D0] =	vst v18  }
0x189: {  	[tilespmem:s18+$0x1E0] =	vst v19  }
0x18a: {  	[tilespmem:s18+$0x1F0] =	vst v18  }
.LBB2_9:
0x18b: {  	_ =	sfence.sel $0x180000  }
0x18c: {  	[bflag:$0x0] =	sbarrier.arrive $0xFFFF  }
0x18d: {  	p0 =	sne.s32 s1, $0x0;
	_ =	strace $0x90000047  }
0x18e: {  	s0 =	sadd.s32 @!p0 $0x100000, s0;
	[bflag:$0x2] =	sbarrier.arrive $0xFFFF  }
0x18f: {  	[sflag:s0] =	ssyncadd.tile.s32 @!p0 $0x1;
	_ =	shalt  }
.Lfunc_end2:
_tile_overlayer_lowered:
.L_overlay_start_2:
0x190: {  	(tag) =	ssettag $0x2  }
0x191: {  	s0 =	rddreg [dreg:$0x0];
	s2 =	stileid.u32  }
0x192: {  	s1 =	rddreg [dreg:$0x1];
	p0 =	sne.s32 s2, $0x0  }
0x193: {  	s3 =	rddreg [dreg:$0x2];
	[bflag:$0x3] =	sbarrier.arrive $0xFFFF;
	s2 =	simm.s32 @!p0 $0x1C02  }
0x194: {  	[timem:s3], [sflag:s2] =	dma.local @!p0 [hbm:s0], s1  }
0x195: {  	s0 =	simm.s32 @!p0 $0x2  }
0x196: {  	_ =	swait.ge @!p0 [sflag:s0], s1  }
0x197: {  	s1 =	ssub.s32 @!p0 $0x0, s1;
	[sflag:s0] =	ssyncset.done @!p0 $0x0  }
0x198: {  	[sflag:s0] =	ssyncadd.s32 @!p0 s1  }
0x199: {  	[bflag:$0x3] =	sbarrier.arrive $0xFFFF  }
0x19a: {  	_ =	shalt  }

</sc_bundles>
